<compile_context>
chip_gen: v7x
topology: tpu7x:2x2x1
jax: 0.10.2.dev20260603
libtpu: 0.0.44.dev20260713+nightly
codegen_flags: <defaults>
</compile_context>

<pallas_src>
import functools

import jax
import jax.numpy as jnp
from jax import lax
from jax.experimental import pallas as pl
from jax.experimental.pallas import tpu as pltpu
from jax.experimental.pallas import tpu_sc as plsc

N = 10000
NP = 10240
E = 320000
F = 128
OUT = 64
NC = 2
NS = 16
HALF = NP // NC
ACC = HALF + 8
C = 128
NCH = 158
EPS = C * NCH
EPAD = EPS * NS
RPS = NP // NS
RPSH = HALF // NS

_mesh = plsc.VectorSubcoreMesh(core_axis_name="c", subcore_axis_name="s")


@functools.partial(
    pl.kernel,
    out_type=jax.ShapeDtypeStruct((NC, NP), jnp.float32),
    mesh=_mesh,
    scratch_types=[
        pltpu.VMEM((NCH, C), jnp.int32),
        pltpu.VMEM((C,), jnp.float32),
        pltpu.VMEM((RPS,), jnp.float32),
        pltpu.VMEM_SHARED((NP,), jnp.float32),
    ],
)
def _sc_degree(col_hbm, out_hbm, col_v, ones_v, zbuf_v, acc_sh):
    c = lax.axis_index("c")
    s = lax.axis_index("s")
    one16 = jnp.ones((16,), jnp.float32)
    zero16 = jnp.zeros((16,), jnp.float32)

    def fill_ones(i, carry):
        ones_v[pl.ds(i * 16, 16)] = one16
        return carry

    lax.fori_loop(0, C // 16, fill_ones, 0)

    def fill_zero(i, carry):
        zbuf_v[pl.ds(i * 16, 16)] = zero16
        return carry

    lax.fori_loop(0, RPS // 16, fill_zero, 0)
    pltpu.sync_copy(zbuf_v, acc_sh.at[pl.ds(s * RPS, RPS)])
    pltpu.sync_copy(col_hbm.at[s], col_v)
    plsc.subcore_barrier()

    def chunk(j, carry):
        pltpu.sync_copy(ones_v, acc_sh.at[col_v.at[j]], add=True)
        return carry

    lax.fori_loop(0, NCH, chunk, 0)
    plsc.subcore_barrier()
    pltpu.sync_copy(acc_sh.at[pl.ds(s * RPS, RPS)], zbuf_v)
    pltpu.sync_copy(zbuf_v, out_hbm.at[c, pl.ds(s * RPS, RPS)])


@functools.partial(
    pl.kernel,
    out_type=jax.ShapeDtypeStruct((NP, F), jnp.float32),
    mesh=_mesh,
    scratch_types=[
        pltpu.VMEM((NCH, C), jnp.int32),
        pltpu.VMEM((NCH, C), jnp.int32),
        pltpu.VMEM((C, F), jnp.float32),
        pltpu.VMEM((C, F), jnp.float32),
        pltpu.VMEM((64, F), jnp.float32),
        pltpu.VMEM_SHARED((ACC, F), jnp.float32),
        pltpu.SemaphoreType.DMA,
        pltpu.SemaphoreType.DMA,
        pltpu.SemaphoreType.DMA,
        pltpu.SemaphoreType.DMA,
    ],
)
def _sc_propagate(src_hbm, row_hbm, col_hbm, out_hbm,
                  row_v, col_v, buf0_v, buf1_v, zbuf_v, acc_sh,
                  sem0, sem1, sem2, sem3):
    c = lax.axis_index("c")
    s = lax.axis_index("s")
    zero16 = jnp.zeros((16,), jnp.float32)
    base = c * HALF

    pltpu.sync_copy(row_hbm.at[s], row_v)
    pltpu.sync_copy(col_hbm.at[s], col_v)

    def g_start(j, bufref, semA, semB):
        pltpu.async_copy(src_hbm.at[row_v.at[j, pl.ds(0, 64)]],
                         bufref.at[pl.ds(0, 64)], semA)
        pltpu.async_copy(src_hbm.at[row_v.at[j, pl.ds(64, 64)]],
                         bufref.at[pl.ds(64, 64)], semB)

    def g_wait(j, bufref, semA, semB):
        pltpu.make_async_copy(src_hbm.at[row_v.at[j, pl.ds(0, 64)]],
                              bufref.at[pl.ds(0, 64)], semA).wait()
        pltpu.make_async_copy(src_hbm.at[row_v.at[j, pl.ds(64, 64)]],
                              bufref.at[pl.ds(64, 64)], semB).wait()

    g_start(0, buf0_v, sem0, sem1)

    def fz(i, carry):
        zbuf_v[i // 8, pl.ds((i % 8) * 16, 16)] = zero16
        return carry

    lax.fori_loop(0, 64 * 8, fz, 0)

    def zrow(k, carry):
        pltpu.sync_copy(zbuf_v,
                        acc_sh.at[pl.ds(s * RPSH + k * 64, 64)])
        return carry

    lax.fori_loop(0, RPSH // 64, zrow, 0)

    def fixcol(i, carry):
        j = i // (C // 16)
        k = (i % (C // 16)) * 16
        v = col_v[j, pl.ds(k, 16)] - base
        ok = (v >= 0) & (v < HALF)
        col_v[j, pl.ds(k, 16)] = jnp.where(ok, v, HALF)
        return carry

    lax.fori_loop(0, NCH * (C // 16), fixcol, 0)
    plsc.subcore_barrier()

    def pair(p, carry):
        j0 = 2 * p
        j1 = j0 + 1
        g_start(j1, buf1_v, sem2, sem3)
        g_wait(j0, buf0_v, sem0, sem1)
        pltpu.sync_copy(buf0_v, acc_sh.at[col_v.at[j0]], add=True)
        g_wait(j1, buf1_v, sem2, sem3)

        @pl.when(p + 1 < NCH // 2)
        def _():
            g_start(j0 + 2, buf0_v, sem0, sem1)

        pltpu.sync_copy(buf1_v, acc_sh.at[col_v.at[j1]], add=True)
        return carry

    lax.fori_loop(0, NCH // 2, pair, 0)
    plsc.subcore_barrier()

    def wb(k, carry):
        off = s * RPSH + k * 64
        pltpu.sync_copy(acc_sh.at[pl.ds(off, 64)], zbuf_v)
        pltpu.sync_copy(zbuf_v, out_hbm.at[pl.ds(base + off, 64)])
        return carry

    lax.fori_loop(0, RPSH // 64, wb, 0)


B = 1024
_GRID = NP // B


def _dinv_block(degt, i):
    deg = degt[:, 0:1] + 1.0
    rows = i * B + lax.broadcasted_iota(jnp.int32, (B, 1), 0)
    return jnp.where(rows < N, lax.rsqrt(deg), 0.0)


def _lin1_body(x_ref, w_ref, degt_ref, o_ref):
    i = pl.program_id(0)
    dinv = _dinv_block(degt_ref[...], i)
    o_ref[...] = jnp.dot(x_ref[...], w_ref[...],
                         preferred_element_type=jnp.float32) * dinv


def _mid_body(s_ref, z_ref, degt_ref, b_ref, o_ref):
    i = pl.program_id(0)
    dinv = _dinv_block(degt_ref[...], i)
    t = s_ref[...] + z_ref[...]
    o_ref[...] = dinv * jnp.maximum(dinv * t + b_ref[...], 0.0)


def _out_body(q_ref, h_ref, degt_ref, wmu_ref, bmu_ref, wls_ref, bls_ref,
              mu_ref, ls_ref):
    deg = degt_ref[:, 0:1] + 1.0
    dinv = lax.rsqrt(deg)
    q = dinv * (q_ref[...] + h_ref[...])
    mu_ref[...] = jnp.dot(q, wmu_ref[...],
                          preferred_element_type=jnp.float32) + bmu_ref[...]
    ls_ref[...] = jnp.dot(q, wls_ref[...],
                          preferred_element_type=jnp.float32) + bls_ref[...]


def _tc_lin1(xp, W1, degt):
    return pl.pallas_call(
        _lin1_body,
        grid=(_GRID,),
        in_specs=[
            pl.BlockSpec((B, F), lambda i: (i, 0)),
            pl.BlockSpec((F, F), lambda i: (0, 0)),
            pl.BlockSpec((B, 2), lambda i: (i, 0)),
        ],
        out_specs=pl.BlockSpec((B, F), lambda i: (i, 0)),
        out_shape=jax.ShapeDtypeStruct((NP, F), jnp.float32),
    )(xp, W1, degt)


def _tc_mid(S, z1p, degt, b1):
    return pl.pallas_call(
        _mid_body,
        grid=(_GRID,),
        in_specs=[
            pl.BlockSpec((B, F), lambda i: (i, 0)),
            pl.BlockSpec((B, F), lambda i: (i, 0)),
            pl.BlockSpec((B, 2), lambda i: (i, 0)),
            pl.BlockSpec((1, F), lambda i: (0, 0)),
        ],
        out_specs=pl.BlockSpec((B, F), lambda i: (i, 0)),
        out_shape=jax.ShapeDtypeStruct((NP, F), jnp.float32),
    )(S, z1p, degt, b1)


BO = 2000


def _tc_out(Q, hp, degt, Wmu, bmu, Wls, bls):
    return pl.pallas_call(
        _out_body,
        grid=(N // BO,),
        in_specs=[
            pl.BlockSpec((BO, F), lambda i: (i, 0)),
            pl.BlockSpec((BO, F), lambda i: (i, 0)),
            pl.BlockSpec((BO, 2), lambda i: (i, 0)),
            pl.BlockSpec((F, OUT), lambda i: (0, 0)),
            pl.BlockSpec((1, OUT), lambda i: (0, 0)),
            pl.BlockSpec((F, OUT), lambda i: (0, 0)),
            pl.BlockSpec((1, OUT), lambda i: (0, 0)),
        ],
        out_specs=[
            pl.BlockSpec((BO, OUT), lambda i: (i, 0)),
            pl.BlockSpec((BO, OUT), lambda i: (i, 0)),
        ],
        out_shape=[
            jax.ShapeDtypeStruct((N, OUT), jnp.float32),
            jax.ShapeDtypeStruct((N, OUT), jnp.float32),
        ],
    )(Q, hp, degt, Wmu, bmu, Wls, bls)


def kernel(x, edge_index, W1, b1, Wmu, bmu, Wls, bls):
    pad = EPAD - E
    pad_idx = (N + (jnp.arange(pad, dtype=jnp.int32) % (NP - N))).astype(jnp.int32)
    rowp = jnp.concatenate([edge_index[0], pad_idx]).reshape(NS, NCH, C)
    colp = jnp.concatenate([edge_index[1], pad_idx]).reshape(NS, NCH, C)
    xp = jnp.pad(x, ((0, NP - N), (0, 0)))

    degp = _sc_degree(colp)
    degt = jnp.swapaxes(degp, 0, 1)

    z1p = _tc_lin1(xp, W1, degt)
    S = _sc_propagate(z1p, rowp, colp)
    hp = _tc_mid(S, z1p, degt, b1.reshape(1, F))
    Q = _sc_propagate(hp, rowp, colp)
    mu, ls = _tc_out(Q, hp, degt, Wmu, bmu.reshape(1, OUT),
                     Wls, bls.reshape(1, OUT))
    return (mu, ls)

# --- scband reference (transcript-rebuilt; emitter-appended) ---
"""Pipeline reference for scband-variational-gcnencoder-67551245631658 (READ-ONLY COPY).

The authoritative reference and input builder live on the scoring server;
editing this copy changes nothing except your own understanding.
"""

import jax, jax.numpy as jnp
import numpy as np

N = 10000
E = 320000
IN = 128
OUT = 64
HID = 2 * OUT


def setup_inputs(seed: int = 0) -> dict:
    key = jax.random.key(seed)
    ks = jax.random.split(key, 8)
    x = jax.random.normal(ks[0], (N, IN), dtype=jnp.float32)
    edge_index = jax.random.randint(ks[1], (2, E), 0, N, dtype=jnp.int32)
    s1 = 1.0 / np.sqrt(IN)
    s2 = 1.0 / np.sqrt(HID)
    W1 = jax.random.normal(ks[2], (IN, HID), dtype=jnp.float32) * s1
    b1 = jnp.zeros((HID,), dtype=jnp.float32)
    Wmu = jax.random.normal(ks[3], (HID, OUT), dtype=jnp.float32) * s2
    bmu = jnp.zeros((OUT,), dtype=jnp.float32)
    Wls = jax.random.normal(ks[4], (HID, OUT), dtype=jnp.float32) * s2
    bls = jnp.zeros((OUT,), dtype=jnp.float32)
    return {"x": x, "edge_index": edge_index, "W1": W1, "b1": b1,
            "Wmu": Wmu, "bmu": bmu, "Wls": Wls, "bls": bls}


def _gcn_conv(x, edge_index, W, b, num_nodes):
    # PyG GCNConv: linear, add self-loops, symmetric norm, scatter-add, bias
    x = x @ W
    row, col = edge_index[0], edge_index[1]
    loop = jnp.arange(num_nodes, dtype=row.dtype)
    row = jnp.concatenate([row, loop])
    col = jnp.concatenate([col, loop])
    deg = jnp.zeros((num_nodes,), dtype=x.dtype).at[col].add(1.0)
    dinv = jnp.where(deg > 0, 1.0 / jnp.sqrt(deg), 0.0)
    norm = dinv[row] * dinv[col]
    msg = x[row] * norm[:, None]
    out = jnp.zeros((num_nodes, x.shape[1]), dtype=x.dtype).at[col].add(msg)
    return out + b


def reference(x, edge_index, W1, b1, Wmu, bmu, Wls, bls):
    h = jax.nn.relu(_gcn_conv(x, edge_index, W1, b1, N))
    # dropout is identity in eval mode
    mu = _gcn_conv(h, edge_index, Wmu, bmu, N)
    logstd = _gcn_conv(h, edge_index, Wls, bls, N)
    return (mu, logstd)

if __name__ == "__main__":
    import jax
    _d = setup_inputs()
    print(jax.jit(kernel)(*tuple(_d.values())))

</pallas_src>

<mosaic_0001>
#map = affine_map<(d0, d1) -> (0, 0)>
#map1 = affine_map<(d0, d1) -> (0, 0, 0)>
module attributes {stable_mosaic.version = 14 : i64} {
  func.func @_sc_propagate(%arg0: i32, %arg1: i32, %arg2: memref<10240x128xf32, #tpu.memory_space<hbm>>, %arg3: memref<16x158x128xi32, #tpu.memory_space<hbm>>, %arg4: memref<16x158x128xi32, #tpu.memory_space<hbm>>, %arg5: memref<10240x128xf32, #tpu.memory_space<hbm>>, %arg6: memref<158x128xi32, #tpu.memory_space<vmem>>, %arg7: memref<158x128xi32, #tpu.memory_space<vmem>>, %arg8: memref<128x128xf32, #tpu.memory_space<vmem>>, %arg9: memref<128x128xf32, #tpu.memory_space<vmem>>, %arg10: memref<64x128xf32, #tpu.memory_space<vmem>>, %arg11: memref<5128x128xf32, #tpu.memory_space<vmem_shared>>, %arg12: memref<!tpu.dma_semaphore, #tpu.memory_space<semaphore_mem>>, %arg13: memref<!tpu.dma_semaphore, #tpu.memory_space<semaphore_mem>>, %arg14: memref<!tpu.dma_semaphore, #tpu.memory_space<semaphore_mem>>, %arg15: memref<!tpu.dma_semaphore, #tpu.memory_space<semaphore_mem>>) attributes {dimension_semantics = [#tpu.dimension_semantics<core_parallel>, #tpu.dimension_semantics<subcore_parallel>], iteration_bounds = array<i64: 2, 16>, scalar_prefetch = 0 : i64, scratch_operands = 10 : i64, tpu.core_type = #tpu.core_type<sc_vector_subcore>, window_params = [{transform_indices = #map}, {transform_indices = #map1}, {transform_indices = #map1}, {transform_indices = #map}]} {
    %broadcast_in_dim3A = arith.constant 0.000000e+00 : f32
    %broadcast_in_dim3A_0 = vector.broadcast %broadcast_in_dim3A : f32 to vector<16xf32>
    %mul3A = arith.constant 5120 : i32
    %mul3A_1 = arith.muli %arg0, %mul3A : i32
    "tpu.region"() ({
      %run_scoped3A = tpu.sem_alloc : memref<!tpu.dma_semaphore, #tpu.memory_space<semaphore_mem>>
      %dma_start3A_51 = arith.constant 0 : i32
      %dma_start3A_52 = arith.constant 0 : i32
      %dma_start3A_53 = tpu.memref_slice %arg3[%arg1, %dma_start3A_51, %dma_start3A_52] : memref<16x158x128xi32, #tpu.memory_space<hbm>> -> memref<1x158x128xi32, #tpu.memory_space<hbm>>
      %dma_start3A_54 = tpu.memref_squeeze %dma_start3A_53 : memref<1x158x128xi32, #tpu.memory_space<hbm>> -> memref<158x128xi32, #tpu.memory_space<hbm>>
      %dma_start3A_55 = arith.constant 0 : i32
      %dma_start3A_56 = arith.constant 0 : i32
      %dma_start3A_57 = tpu.memref_slice %arg3[%arg1, %dma_start3A_55, %dma_start3A_56] : memref<16x158x128xi32, #tpu.memory_space<hbm>> -> memref<1x158x128xi32, #tpu.memory_space<hbm>>
      %dma_start3A_58 = tpu.memref_squeeze %dma_start3A_57 : memref<1x158x128xi32, #tpu.memory_space<hbm>> -> memref<158x128xi32, #tpu.memory_space<hbm>>
      tpu.enqueue_dma source(%dma_start3A_58 : memref<158x128xi32, #tpu.memory_space<hbm>>) target(%arg6 : memref<158x128xi32, #tpu.memory_space<vmem>>) target_semaphore(%run_scoped3A : memref<!tpu.dma_semaphore, #tpu.memory_space<semaphore_mem>>)
      %dma_wait3A = arith.constant 0 : i32
      %dma_wait3A_59 = arith.constant 0 : i32
      %dma_wait3A_60 = tpu.memref_slice %arg3[%arg1, %dma_wait3A, %dma_wait3A_59] : memref<16x158x128xi32, #tpu.memory_space<hbm>> -> memref<1x158x128xi32, #tpu.memory_space<hbm>>
      %dma_wait3A_61 = tpu.memref_squeeze %dma_wait3A_60 : memref<1x158x128xi32, #tpu.memory_space<hbm>> -> memref<158x128xi32, #tpu.memory_space<hbm>>
      %dma_wait3A_62 = arith.constant 0 : i32
      %dma_wait3A_63 = arith.constant 0 : i32
      %dma_wait3A_64 = tpu.memref_slice %arg3[%arg1, %dma_wait3A_62, %dma_wait3A_63] : memref<16x158x128xi32, #tpu.memory_space<hbm>> -> memref<1x158x128xi32, #tpu.memory_space<hbm>>
      %dma_wait3A_65 = tpu.memref_squeeze %dma_wait3A_64 : memref<1x158x128xi32, #tpu.memory_space<hbm>> -> memref<158x128xi32, #tpu.memory_space<hbm>>
      tpu.wait_dma2 semaphore(%run_scoped3A : memref<!tpu.dma_semaphore, #tpu.memory_space<semaphore_mem>>) src(%dma_wait3A_65 : memref<158x128xi32, #tpu.memory_space<hbm>>) dst(%arg6 : memref<158x128xi32, #tpu.memory_space<vmem>>)
      tpu.yield
    }) : () -> ()
    "tpu.region"() ({
      %run_scoped3A = tpu.sem_alloc : memref<!tpu.dma_semaphore, #tpu.memory_space<semaphore_mem>>
      %dma_start3A_51 = arith.constant 0 : i32
      %dma_start3A_52 = arith.constant 0 : i32
      %dma_start3A_53 = tpu.memref_slice %arg4[%arg1, %dma_start3A_51, %dma_start3A_52] : memref<16x158x128xi32, #tpu.memory_space<hbm>> -> memref<1x158x128xi32, #tpu.memory_space<hbm>>
      %dma_start3A_54 = tpu.memref_squeeze %dma_start3A_53 : memref<1x158x128xi32, #tpu.memory_space<hbm>> -> memref<158x128xi32, #tpu.memory_space<hbm>>
      %dma_start3A_55 = arith.constant 0 : i32
      %dma_start3A_56 = arith.constant 0 : i32
      %dma_start3A_57 = tpu.memref_slice %arg4[%arg1, %dma_start3A_55, %dma_start3A_56] : memref<16x158x128xi32, #tpu.memory_space<hbm>> -> memref<1x158x128xi32, #tpu.memory_space<hbm>>
      %dma_start3A_58 = tpu.memref_squeeze %dma_start3A_57 : memref<1x158x128xi32, #tpu.memory_space<hbm>> -> memref<158x128xi32, #tpu.memory_space<hbm>>
      tpu.enqueue_dma source(%dma_start3A_58 : memref<158x128xi32, #tpu.memory_space<hbm>>) target(%arg7 : memref<158x128xi32, #tpu.memory_space<vmem>>) target_semaphore(%run_scoped3A : memref<!tpu.dma_semaphore, #tpu.memory_space<semaphore_mem>>)
      %dma_wait3A = arith.constant 0 : i32
      %dma_wait3A_59 = arith.constant 0 : i32
      %dma_wait3A_60 = tpu.memref_slice %arg4[%arg1, %dma_wait3A, %dma_wait3A_59] : memref<16x158x128xi32, #tpu.memory_space<hbm>> -> memref<1x158x128xi32, #tpu.memory_space<hbm>>
      %dma_wait3A_61 = tpu.memref_squeeze %dma_wait3A_60 : memref<1x158x128xi32, #tpu.memory_space<hbm>> -> memref<158x128xi32, #tpu.memory_space<hbm>>
      %dma_wait3A_62 = arith.constant 0 : i32
      %dma_wait3A_63 = arith.constant 0 : i32
      %dma_wait3A_64 = tpu.memref_slice %arg4[%arg1, %dma_wait3A_62, %dma_wait3A_63] : memref<16x158x128xi32, #tpu.memory_space<hbm>> -> memref<1x158x128xi32, #tpu.memory_space<hbm>>
      %dma_wait3A_65 = tpu.memref_squeeze %dma_wait3A_64 : memref<1x158x128xi32, #tpu.memory_space<hbm>> -> memref<158x128xi32, #tpu.memory_space<hbm>>
      tpu.wait_dma2 semaphore(%run_scoped3A : memref<!tpu.dma_semaphore, #tpu.memory_space<semaphore_mem>>) src(%dma_wait3A_65 : memref<158x128xi32, #tpu.memory_space<hbm>>) dst(%arg7 : memref<158x128xi32, #tpu.memory_space<vmem>>)
      tpu.yield
    }) : () -> ()
    %dma_start3A = arith.constant 0 : i32
    %dma_start3A_2 = arith.constant 0 : i32
    %dma_start3A_3 = arith.constant 0 : i32
    %dma_start3A_4 = tpu.memref_slice %arg8[%dma_start3A_2, %dma_start3A_3] : memref<128x128xf32, #tpu.memory_space<vmem>> -> memref<64x128xf32, #tpu.memory_space<vmem>>
    %dma_start3A_5 = arith.constant 0 : i32
    %dma_start3A_6 = tpu.memref_slice %arg6[%dma_start3A, %dma_start3A_5] : memref<158x128xi32, #tpu.memory_space<vmem>> -> memref<1x64xi32, #tpu.memory_space<vmem>>
    %dma_start3A_7 = tpu.memref_squeeze %dma_start3A_6 : memref<1x64xi32, #tpu.memory_space<vmem>> -> memref<64xi32, #tpu.memory_space<vmem>>
    %dma_start3A_8 = arith.constant 0 : i32
    %dma_start3A_9 = arith.constant 0 : i32
    %dma_start3A_10 = tpu.memref_slice %arg2[%dma_start3A_8, %dma_start3A_9] : memref<10240x128xf32, #tpu.memory_space<hbm>> -> memref<10240x128xf32, #tpu.memory_space<hbm>>
    tpu.enqueue_indirect_dma source(%dma_start3A_10 : memref<10240x128xf32, #tpu.memory_space<hbm>>) target(%dma_start3A_4 : memref<64x128xf32, #tpu.memory_space<vmem>>) offsets(%dma_start3A_7 : memref<64xi32, #tpu.memory_space<vmem>>) semaphore(%arg12 : memref<!tpu.dma_semaphore, #tpu.memory_space<semaphore_mem>>)
    %dma_start3A_11 = arith.constant 0 : i32
    %dma_start3A_12 = arith.constant 64 : i32
    %dma_start3A_13 = arith.constant 0 : i32
    %dma_start3A_14 = tpu.memref_slice %arg8[%dma_start3A_12, %dma_start3A_13] : memref<128x128xf32, #tpu.memory_space<vmem>> -> memref<64x128xf32, #tpu.memory_space<vmem>>
    %dma_start3A_15 = arith.constant 64 : i32
    %dma_start3A_16 = tpu.memref_slice %arg6[%dma_start3A_11, %dma_start3A_15] : memref<158x128xi32, #tpu.memory_space<vmem>> -> memref<1x64xi32, #tpu.memory_space<vmem>>
    %dma_start3A_17 = tpu.memref_squeeze %dma_start3A_16 : memref<1x64xi32, #tpu.memory_space<vmem>> -> memref<64xi32, #tpu.memory_space<vmem>>
    %dma_start3A_18 = arith.constant 0 : i32
    %dma_start3A_19 = arith.constant 0 : i32
    %dma_start3A_20 = tpu.memref_slice %arg2[%dma_start3A_18, %dma_start3A_19] : memref<10240x128xf32, #tpu.memory_space<hbm>> -> memref<10240x128xf32, #tpu.memory_space<hbm>>
    tpu.enqueue_indirect_dma source(%dma_start3A_20 : memref<10240x128xf32, #tpu.memory_space<hbm>>) target(%dma_start3A_14 : memref<64x128xf32, #tpu.memory_space<vmem>>) offsets(%dma_start3A_17 : memref<64xi32, #tpu.memory_space<vmem>>) semaphore(%arg13 : memref<!tpu.dma_semaphore, #tpu.memory_space<semaphore_mem>>)
    %scan3A = arith.constant 0 : i32
    %scan3A_21 = arith.constant 0 : i32
    %scan3A_22 = arith.constant 512 : i32
    %scan3A_23 = arith.addi %scan3A_21, %scan3A_22 : i32
    %scan3A_24 = arith.constant 1 : i32
    scf.for %scan3A_51 = %scan3A_21 to %scan3A_23 step %scan3A_24  : i32 {
      %jit3A = arith.constant 8 : i32
      %div3A = arith.divsi %scan3A_51, %jit3A : i32
      %sign3A = arith.constant 0 : i32
      %sign3A_52 = arith.cmpi sgt, %scan3A_51, %sign3A : i32
      %sign3A_53 = arith.extui %sign3A_52 : i1 to i32
      %sign3A_54 = arith.constant 0 : i32
      %sign3A_55 = arith.cmpi slt, %scan3A_51, %sign3A_54 : i32
      %sign3A_56 = arith.extui %sign3A_55 : i1 to i32
      %sign3A_57 = arith.subi %sign3A_53, %sign3A_56 : i32
      %sign3A_58 = arith.constant 0 : i32
      %sign3A_59 = arith.cmpi sgt, %jit3A, %sign3A_58 : i32
      %sign3A_60 = arith.extui %sign3A_59 : i1 to i32
      %sign3A_61 = arith.constant 0 : i32
      %sign3A_62 = arith.cmpi slt, %jit3A, %sign3A_61 : i32
      %sign3A_63 = arith.extui %sign3A_62 : i1 to i32
      %sign3A_64 = arith.subi %sign3A_60, %sign3A_63 : i32
      %ne3A = arith.cmpi ne, %sign3A_57, %sign3A_64 : i32
      %rem3A = arith.remsi %scan3A_51, %jit3A : i32
      %ne3A_65 = arith.constant 0 : i32
      %ne3A_66 = arith.cmpi ne, %rem3A, %ne3A_65 : i32
      %and3A = arith.andi %ne3A, %ne3A_66 : i1
      %sub3A = arith.constant 1 : i32
      %sub3A_67 = arith.subi %div3A, %sub3A : i32
      %select_n3A = arith.select %and3A, %sub3A_67, %div3A : i32
      %jit3A_68 = arith.constant 8 : i32
      %eq3A = arith.constant 0 : i32
      %eq3A_69 = arith.cmpi eq, %jit3A_68, %eq3A : i32
      %jit3A_70 = arith.constant 1 : i32
      %select_n3A_71 = arith.select %eq3A_69, %jit3A_70, %jit3A_68 : i32
      %rem3A_72 = arith.remsi %scan3A_51, %select_n3A_71 : i32
      %ne3A_73 = arith.constant 0 : i32
      %ne3A_74 = arith.cmpi ne, %rem3A_72, %ne3A_73 : i32
      %lt3A = arith.constant 0 : i32
      %lt3A_75 = arith.cmpi slt, %rem3A_72, %lt3A : i32
      %lt3A_76 = arith.constant 0 : i32
      %lt3A_77 = arith.cmpi slt, %select_n3A_71, %lt3A_76 : i32
      %ne3A_78 = arith.xori %lt3A_75, %lt3A_77 : i1
      %and3A_79 = arith.andi %ne3A_78, %ne3A_74 : i1
      %add3A = arith.addi %rem3A_72, %select_n3A_71 : i32
      %select_n3A_80 = arith.select %and3A_79, %add3A, %rem3A_72 : i32
      %mul3A_81 = arith.constant 16 : i32
      %mul3A_82 = arith.muli %select_n3A_80, %mul3A_81 : i32
      %swap3A = arith.index_cast %select_n3A : i32 to index
      %swap3A_83 = arith.index_cast %mul3A_82 : i32 to index
      %swap3A_84 = tpu.vector_load %arg10[%swap3A, %swap3A_83] {strides = array<i32>} : memref<64x128xf32, #tpu.memory_space<vmem>>, vector<1x16xf32>,
      %swap3A_85 = vector.shape_cast %swap3A_84 : vector<1x16xf32> to vector<16xf32>
      %swap3A_86 = vector.shape_cast %broadcast_in_dim3A_0 : vector<16xf32> to vector<1x16xf32>
      tpu.vector_store %arg10[%swap3A, %swap3A_83], %swap3A_86 {strides = array<i32>} : memref<64x128xf32, #tpu.memory_space<vmem>>, vector<1x16xf32>,
    }
    %scan3A_25 = arith.constant 512 : i32
    %scan3A_26 = arith.constant 0 : i32
    %scan3A_27 = arith.constant 0 : i32
    %scan3A_28 = arith.constant 5 : i32
    %scan3A_29 = arith.addi %scan3A_27, %scan3A_28 : i32
    %scan3A_30 = arith.constant 1 : i32
    scf.for %scan3A_51 = %scan3A_27 to %scan3A_29 step %scan3A_30  : i32 {
      %mul3A_52 = arith.constant 320 : i32
      %mul3A_53 = arith.muli %arg1, %mul3A_52 : i32
      %mul3A_54 = arith.constant 64 : i32
      %mul3A_55 = arith.muli %scan3A_51, %mul3A_54 : i32
      %add3A = arith.addi %mul3A_53, %mul3A_55 : i32
      "tpu.region"() ({
        %run_scoped3A = tpu.sem_alloc : memref<!tpu.dma_semaphore, #tpu.memory_space<semaphore_mem>>
        %dma_start3A_56 = arith.constant 0 : i32
        %dma_start3A_57 = tpu.memref_slice %arg11[%add3A, %dma_start3A_56] : memref<5128x128xf32, #tpu.memory_space<vmem_shared>> -> memref<64x128xf32, #tpu.memory_space<vmem_shared>>
        %dma_start3A_58 = arith.constant 0 : i32
        %dma_start3A_59 = tpu.memref_slice %arg11[%add3A, %dma_start3A_58] : memref<5128x128xf32, #tpu.memory_space<vmem_shared>> -> memref<64x128xf32, #tpu.memory_space<vmem_shared>>
        tpu.enqueue_dma source(%arg10 : memref<64x128xf32, #tpu.memory_space<vmem>>) target(%dma_start3A_59 : memref<64x128xf32, #tpu.memory_space<vmem_shared>>) target_semaphore(%run_scoped3A : memref<!tpu.dma_semaphore, #tpu.memory_space<semaphore_mem>>)
        %dma_wait3A = arith.constant 0 : i32
        %dma_wait3A_60 = tpu.memref_slice %arg11[%add3A, %dma_wait3A] : memref<5128x128xf32, #tpu.memory_space<vmem_shared>> -> memref<64x128xf32, #tpu.memory_space<vmem_shared>>
        %dma_wait3A_61 = arith.constant 0 : i32
        %dma_wait3A_62 = tpu.memref_slice %arg11[%add3A, %dma_wait3A_61] : memref<5128x128xf32, #tpu.memory_space<vmem_shared>> -> memref<64x128xf32, #tpu.memory_space<vmem_shared>>
        tpu.wait_dma2 semaphore(%run_scoped3A : memref<!tpu.dma_semaphore, #tpu.memory_space<semaphore_mem>>) src(%arg10 : memref<64x128xf32, #tpu.memory_space<vmem>>) dst(%dma_wait3A_62 : memref<64x128xf32, #tpu.memory_space<vmem_shared>>)
        tpu.yield
      }) : () -> ()
    }
    %scan3A_31 = arith.constant 5 : i32
    %scan3A_32 = arith.constant 0 : i32
    %scan3A_33 = arith.constant 0 : i32
    %scan3A_34 = arith.constant 1264 : i32
    %scan3A_35 = arith.addi %scan3A_33, %scan3A_34 : i32
    %scan3A_36 = arith.constant 1 : i32
    scf.for %scan3A_51 = %scan3A_33 to %scan3A_35 step %scan3A_36  : i32 {
      %jit3A = arith.constant 8 : i32
      %div3A = arith.divsi %scan3A_51, %jit3A : i32
      %sign3A = arith.constant 0 : i32
      %sign3A_52 = arith.cmpi sgt, %scan3A_51, %sign3A : i32
      %sign3A_53 = arith.extui %sign3A_52 : i1 to i32
      %sign3A_54 = arith.constant 0 : i32
      %sign3A_55 = arith.cmpi slt, %scan3A_51, %sign3A_54 : i32
      %sign3A_56 = arith.extui %sign3A_55 : i1 to i32
      %sign3A_57 = arith.subi %sign3A_53, %sign3A_56 : i32
      %sign3A_58 = arith.constant 0 : i32
      %sign3A_59 = arith.cmpi sgt, %jit3A, %sign3A_58 : i32
      %sign3A_60 = arith.extui %sign3A_59 : i1 to i32
      %sign3A_61 = arith.constant 0 : i32
      %sign3A_62 = arith.cmpi slt, %jit3A, %sign3A_61 : i32
      %sign3A_63 = arith.extui %sign3A_62 : i1 to i32
      %sign3A_64 = arith.subi %sign3A_60, %sign3A_63 : i32
      %ne3A = arith.cmpi ne, %sign3A_57, %sign3A_64 : i32
      %rem3A = arith.remsi %scan3A_51, %jit3A : i32
      %ne3A_65 = arith.constant 0 : i32
      %ne3A_66 = arith.cmpi ne, %rem3A, %ne3A_65 : i32
      %and3A = arith.andi %ne3A, %ne3A_66 : i1
      %sub3A = arith.constant 1 : i32
      %sub3A_67 = arith.subi %div3A, %sub3A : i32
      %select_n3A = arith.select %and3A, %sub3A_67, %div3A : i32
      %jit3A_68 = arith.constant 8 : i32
      %eq3A = arith.constant 0 : i32
      %eq3A_69 = arith.cmpi eq, %jit3A_68, %eq3A : i32
      %jit3A_70 = arith.constant 1 : i32
      %select_n3A_71 = arith.select %eq3A_69, %jit3A_70, %jit3A_68 : i32
      %rem3A_72 = arith.remsi %scan3A_51, %select_n3A_71 : i32
      %ne3A_73 = arith.constant 0 : i32
      %ne3A_74 = arith.cmpi ne, %rem3A_72, %ne3A_73 : i32
      %lt3A = arith.constant 0 : i32
      %lt3A_75 = arith.cmpi slt, %rem3A_72, %lt3A : i32
      %lt3A_76 = arith.constant 0 : i32
      %lt3A_77 = arith.cmpi slt, %select_n3A_71, %lt3A_76 : i32
      %ne3A_78 = arith.xori %lt3A_75, %lt3A_77 : i1
      %and3A_79 = arith.andi %ne3A_78, %ne3A_74 : i1
      %add3A = arith.addi %rem3A_72, %select_n3A_71 : i32
      %select_n3A_80 = arith.select %and3A_79, %add3A, %rem3A_72 : i32
      %mul3A_81 = arith.constant 16 : i32
      %mul3A_82 = arith.muli %select_n3A_80, %mul3A_81 : i32
      %get3A = arith.index_cast %select_n3A : i32 to index
      %get3A_83 = arith.index_cast %mul3A_82 : i32 to index
      %get3A_84 = tpu.vector_load %arg7[%get3A, %get3A_83] {strides = array<i32>} : memref<158x128xi32, #tpu.memory_space<vmem>>, vector<1x16xi32>,
      %get3A_85 = vector.shape_cast %get3A_84 : vector<1x16xi32> to vector<16xi32>
      %sub3A_86 = vector.broadcast %mul3A_1 : i32 to vector<16xi32>
      %sub3A_87 = arith.subi %get3A_85, %sub3A_86 : vector<16xi32>
      %ge3A = arith.constant 0 : i32
      %ge3A_88 = vector.broadcast %ge3A : i32 to vector<16xi32>
      %ge3A_89 = arith.cmpi sge, %sub3A_87, %ge3A_88 : vector<16xi32>
      %lt3A_90 = arith.constant 5120 : i32
      %lt3A_91 = vector.broadcast %lt3A_90 : i32 to vector<16xi32>
      %lt3A_92 = arith.cmpi slt, %sub3A_87, %lt3A_91 : vector<16xi32>
      %and3A_93 = arith.andi %ge3A_89, %lt3A_92 : vector<16xi1>
      %jit3A_94 = arith.constant 5120 : i32
      %broadcast_in_dim3A_95 = vector.broadcast %jit3A_94 : i32 to vector<16xi32>
      %select_n3A_96 = arith.select %and3A_93, %sub3A_87, %broadcast_in_dim3A_95 : vector<16xi1>, vector<16xi32>
      %swap3A = arith.index_cast %select_n3A : i32 to index
      %swap3A_97 = arith.index_cast %mul3A_82 : i32 to index
      %swap3A_98 = tpu.vector_load %arg7[%swap3A, %swap3A_97] {strides = array<i32>} : memref<158x128xi32, #tpu.memory_space<vmem>>, vector<1x16xi32>,
      %swap3A_99 = vector.shape_cast %swap3A_98 : vector<1x16xi32> to vector<16xi32>
      %swap3A_100 = vector.shape_cast %select_n3A_96 : vector<16xi32> to vector<1x16xi32>
      tpu.vector_store %arg7[%swap3A, %swap3A_97], %swap3A_100 {strides = array<i32>} : memref<158x128xi32, #tpu.memory_space<vmem>>, vector<1x16xi32>,
    }
    %scan3A_37 = arith.constant 1264 : i32
    %barrier3A = arith.constant 0 : index
    tpu.barrier barrier_id(%barrier3A)
    %scan3A_38 = arith.constant 0 : i32
    %scan3A_39 = arith.constant 0 : i32
    %scan3A_40 = arith.constant 79 : i32
    %scan3A_41 = arith.addi %scan3A_39, %scan3A_40 : i32
    %scan3A_42 = arith.constant 1 : i32
    scf.for %scan3A_51 = %scan3A_39 to %scan3A_41 step %scan3A_42  : i32 {
      %mul3A_52 = arith.constant 2 : i32
      %mul3A_53 = arith.muli %mul3A_52, %scan3A_51 : i32
      %add3A = arith.constant 1 : i32
      %add3A_54 = arith.addi %mul3A_53, %add3A : i32
      %dma_start3A_55 = arith.constant 0 : i32
      %dma_start3A_56 = arith.constant 0 : i32
      %dma_start3A_57 = tpu.memref_slice %arg9[%dma_start3A_55, %dma_start3A_56] : memref<128x128xf32, #tpu.memory_space<vmem>> -> memref<64x128xf32, #tpu.memory_space<vmem>>
      %dma_start3A_58 = arith.constant 0 : i32
      %dma_start3A_59 = tpu.memref_slice %arg6[%add3A_54, %dma_start3A_58] : memref<158x128xi32, #tpu.memory_space<vmem>> -> memref<1x64xi32, #tpu.memory_space<vmem>>
      %dma_start3A_60 = tpu.memref_squeeze %dma_start3A_59 : memref<1x64xi32, #tpu.memory_space<vmem>> -> memref<64xi32, #tpu.memory_space<vmem>>
      %dma_start3A_61 = arith.constant 0 : i32
      %dma_start3A_62 = arith.constant 0 : i32
      %dma_start3A_63 = tpu.memref_slice %arg2[%dma_start3A_61, %dma_start3A_62] : memref<10240x128xf32, #tpu.memory_space<hbm>> -> memref<10240x128xf32, #tpu.memory_space<hbm>>
      tpu.enqueue_indirect_dma source(%dma_start3A_63 : memref<10240x128xf32, #tpu.memory_space<hbm>>) target(%dma_start3A_57 : memref<64x128xf32, #tpu.memory_space<vmem>>) offsets(%dma_start3A_60 : memref<64xi32, #tpu.memory_space<vmem>>) semaphore(%arg14 : memref<!tpu.dma_semaphore, #tpu.memory_space<semaphore_mem>>)
      %dma_start3A_64 = arith.constant 64 : i32
      %dma_start3A_65 = arith.constant 0 : i32
      %dma_start3A_66 = tpu.memref_slice %arg9[%dma_start3A_64, %dma_start3A_65] : memref<128x128xf32, #tpu.memory_space<vmem>> -> memref<64x128xf32, #tpu.memory_space<vmem>>
      %dma_start3A_67 = arith.constant 64 : i32
      %dma_start3A_68 = tpu.memref_slice %arg6[%add3A_54, %dma_start3A_67] : memref<158x128xi32, #tpu.memory_space<vmem>> -> memref<1x64xi32, #tpu.memory_space<vmem>>
      %dma_start3A_69 = tpu.memref_squeeze %dma_start3A_68 : memref<1x64xi32, #tpu.memory_space<vmem>> -> memref<64xi32, #tpu.memory_space<vmem>>
      %dma_start3A_70 = arith.constant 0 : i32
      %dma_start3A_71 = arith.constant 0 : i32
      %dma_start3A_72 = tpu.memref_slice %arg2[%dma_start3A_70, %dma_start3A_71] : memref<10240x128xf32, #tpu.memory_space<hbm>> -> memref<10240x128xf32, #tpu.memory_space<hbm>>
      tpu.enqueue_indirect_dma source(%dma_start3A_72 : memref<10240x128xf32, #tpu.memory_space<hbm>>) target(%dma_start3A_66 : memref<64x128xf32, #tpu.memory_space<vmem>>) offsets(%dma_start3A_69 : memref<64xi32, #tpu.memory_space<vmem>>) semaphore(%arg15 : memref<!tpu.dma_semaphore, #tpu.memory_space<semaphore_mem>>)
      %dma_wait3A = arith.constant 0 : i32
      %dma_wait3A_73 = arith.constant 0 : i32
      %dma_wait3A_74 = tpu.memref_slice %arg8[%dma_wait3A, %dma_wait3A_73] : memref<128x128xf32, #tpu.memory_space<vmem>> -> memref<64x128xf32, #tpu.memory_space<vmem>>
      %dma_wait3A_75 = arith.constant 0 : i32
      %dma_wait3A_76 = tpu.memref_slice %arg6[%mul3A_53, %dma_wait3A_75] : memref<158x128xi32, #tpu.memory_space<vmem>> -> memref<1x64xi32, #tpu.memory_space<vmem>>
      %dma_wait3A_77 = tpu.memref_squeeze %dma_wait3A_76 : memref<1x64xi32, #tpu.memory_space<vmem>> -> memref<64xi32, #tpu.memory_space<vmem>>
      %dma_wait3A_78 = arith.constant 0 : i32
      %dma_wait3A_79 = arith.constant 0 : i32
      %dma_wait3A_80 = tpu.memref_slice %arg2[%dma_wait3A_78, %dma_wait3A_79] : memref<10240x128xf32, #tpu.memory_space<hbm>> -> memref<10240x128xf32, #tpu.memory_space<hbm>>
      tpu.wait_indirect_dma semaphore(%arg12 : memref<!tpu.dma_semaphore, #tpu.memory_space<semaphore_mem>>) src(%dma_wait3A_80 : memref<10240x128xf32, #tpu.memory_space<hbm>>) dst(%dma_wait3A_74 : memref<64x128xf32, #tpu.memory_space<vmem>>)
      %dma_wait3A_81 = arith.constant 64 : i32
      %dma_wait3A_82 = arith.constant 0 : i32
      %dma_wait3A_83 = tpu.memref_slice %arg8[%dma_wait3A_81, %dma_wait3A_82] : memref<128x128xf32, #tpu.memory_space<vmem>> -> memref<64x128xf32, #tpu.memory_space<vmem>>
      %dma_wait3A_84 = arith.constant 64 : i32
      %dma_wait3A_85 = tpu.memref_slice %arg6[%mul3A_53, %dma_wait3A_84] : memref<158x128xi32, #tpu.memory_space<vmem>> -> memref<1x64xi32, #tpu.memory_space<vmem>>
      %dma_wait3A_86 = tpu.memref_squeeze %dma_wait3A_85 : memref<1x64xi32, #tpu.memory_space<vmem>> -> memref<64xi32, #tpu.memory_space<vmem>>
      %dma_wait3A_87 = arith.constant 0 : i32
      %dma_wait3A_88 = arith.constant 0 : i32
      %dma_wait3A_89 = tpu.memref_slice %arg2[%dma_wait3A_87, %dma_wait3A_88] : memref<10240x128xf32, #tpu.memory_space<hbm>> -> memref<10240x128xf32, #tpu.memory_space<hbm>>
      tpu.wait_indirect_dma semaphore(%arg13 : memref<!tpu.dma_semaphore, #tpu.memory_space<semaphore_mem>>) src(%dma_wait3A_89 : memref<10240x128xf32, #tpu.memory_space<hbm>>) dst(%dma_wait3A_83 : memref<64x128xf32, #tpu.memory_space<vmem>>)
      "tpu.region"() ({
        %run_scoped3A = tpu.sem_alloc : memref<!tpu.dma_semaphore, #tpu.memory_space<semaphore_mem>>
        %dma_start3A_112 = arith.constant 0 : i32
        %dma_start3A_113 = tpu.memref_slice %arg7[%mul3A_53, %dma_start3A_112] : memref<158x128xi32, #tpu.memory_space<vmem>> -> memref<1x128xi32, #tpu.memory_space<vmem>>
        %dma_start3A_114 = tpu.memref_squeeze %dma_start3A_113 : memref<1x128xi32, #tpu.memory_space<vmem>> -> memref<128xi32, #tpu.memory_space<vmem>>
        %dma_start3A_115 = arith.constant 0 : i32
        %dma_start3A_116 = arith.constant 0 : i32
        %dma_start3A_117 = tpu.memref_slice %arg11[%dma_start3A_115, %dma_start3A_116] : memref<5128x128xf32, #tpu.memory_space<vmem_shared>> -> memref<5128x128xf32, #tpu.memory_space<vmem_shared>>
        tpu.enqueue_indirect_dma source(%arg8 : memref<128x128xf32, #tpu.memory_space<vmem>>) target(%dma_start3A_117 : memref<5128x128xf32, #tpu.memory_space<vmem_shared>>) offsets(%dma_start3A_114 : memref<128xi32, #tpu.memory_space<vmem>>) semaphore(%run_scoped3A : memref<!tpu.dma_semaphore, #tpu.memory_space<semaphore_mem>>) {add = true}
        %dma_wait3A_118 = arith.constant 0 : i32
        %dma_wait3A_119 = tpu.memref_slice %arg7[%mul3A_53, %dma_wait3A_118] : memref<158x128xi32, #tpu.memory_space<vmem>> -> memref<1x128xi32, #tpu.memory_space<vmem>>
        %dma_wait3A_120 = tpu.memref_squeeze %dma_wait3A_119 : memref<1x128xi32, #tpu.memory_space<vmem>> -> memref<128xi32, #tpu.memory_space<vmem>>
        %dma_wait3A_121 = arith.constant 0 : i32
        %dma_wait3A_122 = arith.constant 0 : i32
        %dma_wait3A_123 = tpu.memref_slice %arg11[%dma_wait3A_121, %dma_wait3A_122] : memref<5128x128xf32, #tpu.memory_space<vmem_shared>> -> memref<5128x128xf32, #tpu.memory_space<vmem_shared>>
        tpu.wait_indirect_dma semaphore(%run_scoped3A : memref<!tpu.dma_semaphore, #tpu.memory_space<semaphore_mem>>) src(%arg8 : memref<128x128xf32, #tpu.memory_space<vmem>>) dst(%dma_wait3A_123 : memref<5128x128xf32, #tpu.memory_space<vmem_shared>>)
        tpu.yield
      }) : () -> ()
      %dma_wait3A_90 = arith.constant 0 : i32
      %dma_wait3A_91 = arith.constant 0 : i32
      %dma_wait3A_92 = tpu.memref_slice %arg9[%dma_wait3A_90, %dma_wait3A_91] : memref<128x128xf32, #tpu.memory_space<vmem>> -> memref<64x128xf32, #tpu.memory_space<vmem>>
      %dma_wait3A_93 = arith.constant 0 : i32
      %dma_wait3A_94 = tpu.memref_slice %arg6[%add3A_54, %dma_wait3A_93] : memref<158x128xi32, #tpu.memory_space<vmem>> -> memref<1x64xi32, #tpu.memory_space<vmem>>
      %dma_wait3A_95 = tpu.memref_squeeze %dma_wait3A_94 : memref<1x64xi32, #tpu.memory_space<vmem>> -> memref<64xi32, #tpu.memory_space<vmem>>
      %dma_wait3A_96 = arith.constant 0 : i32
      %dma_wait3A_97 = arith.constant 0 : i32
      %dma_wait3A_98 = tpu.memref_slice %arg2[%dma_wait3A_96, %dma_wait3A_97] : memref<10240x128xf32, #tpu.memory_space<hbm>> -> memref<10240x128xf32, #tpu.memory_space<hbm>>
      tpu.wait_indirect_dma semaphore(%arg14 : memref<!tpu.dma_semaphore, #tpu.memory_space<semaphore_mem>>) src(%dma_wait3A_98 : memref<10240x128xf32, #tpu.memory_space<hbm>>) dst(%dma_wait3A_92 : memref<64x128xf32, #tpu.memory_space<vmem>>)
      %dma_wait3A_99 = arith.constant 64 : i32
      %dma_wait3A_100 = arith.constant 0 : i32
      %dma_wait3A_101 = tpu.memref_slice %arg9[%dma_wait3A_99, %dma_wait3A_100] : memref<128x128xf32, #tpu.memory_space<vmem>> -> memref<64x128xf32, #tpu.memory_space<vmem>>
      %dma_wait3A_102 = arith.constant 64 : i32
      %dma_wait3A_103 = tpu.memref_slice %arg6[%add3A_54, %dma_wait3A_102] : memref<158x128xi32, #tpu.memory_space<vmem>> -> memref<1x64xi32, #tpu.memory_space<vmem>>
      %dma_wait3A_104 = tpu.memref_squeeze %dma_wait3A_103 : memref<1x64xi32, #tpu.memory_space<vmem>> -> memref<64xi32, #tpu.memory_space<vmem>>
      %dma_wait3A_105 = arith.constant 0 : i32
      %dma_wait3A_106 = arith.constant 0 : i32
      %dma_wait3A_107 = tpu.memref_slice %arg2[%dma_wait3A_105, %dma_wait3A_106] : memref<10240x128xf32, #tpu.memory_space<hbm>> -> memref<10240x128xf32, #tpu.memory_space<hbm>>
      tpu.wait_indirect_dma semaphore(%arg15 : memref<!tpu.dma_semaphore, #tpu.memory_space<semaphore_mem>>) src(%dma_wait3A_107 : memref<10240x128xf32, #tpu.memory_space<hbm>>) dst(%dma_wait3A_101 : memref<64x128xf32, #tpu.memory_space<vmem>>)
      %add3A_108 = arith.constant 1 : i32
      %add3A_109 = arith.addi %scan3A_51, %add3A_108 : i32
      %lt3A = arith.constant 79 : i32
      %lt3A_110 = arith.cmpi slt, %add3A_109, %lt3A : i32
      %convert_element_type3A = arith.extui %lt3A_110 : i1 to i32
      %cond3A = arith.constant 0 : i32
      %cond3A_111 = arith.cmpi ne, %convert_element_type3A, %cond3A : i32
      scf.if %cond3A_111 {
        %add3A_112 = arith.constant 2 : i32
        %add3A_113 = arith.addi %mul3A_53, %add3A_112 : i32
        %dma_start3A_114 = arith.constant 0 : i32
        %dma_start3A_115 = arith.constant 0 : i32
        %dma_start3A_116 = tpu.memref_slice %arg8[%dma_start3A_114, %dma_start3A_115] : memref<128x128xf32, #tpu.memory_space<vmem>> -> memref<64x128xf32, #tpu.memory_space<vmem>>
        %dma_start3A_117 = arith.constant 0 : i32
        %dma_start3A_118 = tpu.memref_slice %arg6[%add3A_113, %dma_start3A_117] : memref<158x128xi32, #tpu.memory_space<vmem>> -> memref<1x64xi32, #tpu.memory_space<vmem>>
        %dma_start3A_119 = tpu.memref_squeeze %dma_start3A_118 : memref<1x64xi32, #tpu.memory_space<vmem>> -> memref<64xi32, #tpu.memory_space<vmem>>
        %dma_start3A_120 = arith.constant 0 : i32
        %dma_start3A_121 = arith.constant 0 : i32
        %dma_start3A_122 = tpu.memref_slice %arg2[%dma_start3A_120, %dma_start3A_121] : memref<10240x128xf32, #tpu.memory_space<hbm>> -> memref<10240x128xf32, #tpu.memory_space<hbm>>
        tpu.enqueue_indirect_dma source(%dma_start3A_122 : memref<10240x128xf32, #tpu.memory_space<hbm>>) target(%dma_start3A_116 : memref<64x128xf32, #tpu.memory_space<vmem>>) offsets(%dma_start3A_119 : memref<64xi32, #tpu.memory_space<vmem>>) semaphore(%arg12 : memref<!tpu.dma_semaphore, #tpu.memory_space<semaphore_mem>>)
        %dma_start3A_123 = arith.constant 64 : i32
        %dma_start3A_124 = arith.constant 0 : i32
        %dma_start3A_125 = tpu.memref_slice %arg8[%dma_start3A_123, %dma_start3A_124] : memref<128x128xf32, #tpu.memory_space<vmem>> -> memref<64x128xf32, #tpu.memory_space<vmem>>
        %dma_start3A_126 = arith.constant 64 : i32
        %dma_start3A_127 = tpu.memref_slice %arg6[%add3A_113, %dma_start3A_126] : memref<158x128xi32, #tpu.memory_space<vmem>> -> memref<1x64xi32, #tpu.memory_space<vmem>>
        %dma_start3A_128 = tpu.memref_squeeze %dma_start3A_127 : memref<1x64xi32, #tpu.memory_space<vmem>> -> memref<64xi32, #tpu.memory_space<vmem>>
        %dma_start3A_129 = arith.constant 0 : i32
        %dma_start3A_130 = arith.constant 0 : i32
        %dma_start3A_131 = tpu.memref_slice %arg2[%dma_start3A_129, %dma_start3A_130] : memref<10240x128xf32, #tpu.memory_space<hbm>> -> memref<10240x128xf32, #tpu.memory_space<hbm>>
        tpu.enqueue_indirect_dma source(%dma_start3A_131 : memref<10240x128xf32, #tpu.memory_space<hbm>>) target(%dma_start3A_125 : memref<64x128xf32, #tpu.memory_space<vmem>>) offsets(%dma_start3A_128 : memref<64xi32, #tpu.memory_space<vmem>>) semaphore(%arg13 : memref<!tpu.dma_semaphore, #tpu.memory_space<semaphore_mem>>)
      } else {
      }
      "tpu.region"() ({
        %run_scoped3A = tpu.sem_alloc : memref<!tpu.dma_semaphore, #tpu.memory_space<semaphore_mem>>
        %dma_start3A_112 = arith.constant 0 : i32
        %dma_start3A_113 = tpu.memref_slice %arg7[%add3A_54, %dma_start3A_112] : memref<158x128xi32, #tpu.memory_space<vmem>> -> memref<1x128xi32, #tpu.memory_space<vmem>>
        %dma_start3A_114 = tpu.memref_squeeze %dma_start3A_113 : memref<1x128xi32, #tpu.memory_space<vmem>> -> memref<128xi32, #tpu.memory_space<vmem>>
        %dma_start3A_115 = arith.constant 0 : i32
        %dma_start3A_116 = arith.constant 0 : i32
        %dma_start3A_117 = tpu.memref_slice %arg11[%dma_start3A_115, %dma_start3A_116] : memref<5128x128xf32, #tpu.memory_space<vmem_shared>> -> memref<5128x128xf32, #tpu.memory_space<vmem_shared>>
        tpu.enqueue_indirect_dma source(%arg9 : memref<128x128xf32, #tpu.memory_space<vmem>>) target(%dma_start3A_117 : memref<5128x128xf32, #tpu.memory_space<vmem_shared>>) offsets(%dma_start3A_114 : memref<128xi32, #tpu.memory_space<vmem>>) semaphore(%run_scoped3A : memref<!tpu.dma_semaphore, #tpu.memory_space<semaphore_mem>>) {add = true}
        %dma_wait3A_118 = arith.constant 0 : i32
        %dma_wait3A_119 = tpu.memref_slice %arg7[%add3A_54, %dma_wait3A_118] : memref<158x128xi32, #tpu.memory_space<vmem>> -> memref<1x128xi32, #tpu.memory_space<vmem>>
        %dma_wait3A_120 = tpu.memref_squeeze %dma_wait3A_119 : memref<1x128xi32, #tpu.memory_space<vmem>> -> memref<128xi32, #tpu.memory_space<vmem>>
        %dma_wait3A_121 = arith.constant 0 : i32
        %dma_wait3A_122 = arith.constant 0 : i32
        %dma_wait3A_123 = tpu.memref_slice %arg11[%dma_wait3A_121, %dma_wait3A_122] : memref<5128x128xf32, #tpu.memory_space<vmem_shared>> -> memref<5128x128xf32, #tpu.memory_space<vmem_shared>>
        tpu.wait_indirect_dma semaphore(%run_scoped3A : memref<!tpu.dma_semaphore, #tpu.memory_space<semaphore_mem>>) src(%arg9 : memref<128x128xf32, #tpu.memory_space<vmem>>) dst(%dma_wait3A_123 : memref<5128x128xf32, #tpu.memory_space<vmem_shared>>)
        tpu.yield
      }) : () -> ()
    }
    %scan3A_43 = arith.constant 79 : i32
    %barrier3A_44 = arith.constant 0 : index
    tpu.barrier barrier_id(%barrier3A_44)
    %scan3A_45 = arith.constant 0 : i32
    %scan3A_46 = arith.constant 0 : i32
    %scan3A_47 = arith.constant 5 : i32
    %scan3A_48 = arith.addi %scan3A_46, %scan3A_47 : i32
    %scan3A_49 = arith.constant 1 : i32
    scf.for %scan3A_51 = %scan3A_46 to %scan3A_48 step %scan3A_49  : i32 {
      %mul3A_52 = arith.constant 320 : i32
      %mul3A_53 = arith.muli %arg1, %mul3A_52 : i32
      %mul3A_54 = arith.constant 64 : i32
      %mul3A_55 = arith.muli %scan3A_51, %mul3A_54 : i32
      %add3A = arith.addi %mul3A_53, %mul3A_55 : i32
      "tpu.region"() ({
        %run_scoped3A = tpu.sem_alloc : memref<!tpu.dma_semaphore, #tpu.memory_space<semaphore_mem>>
        %dma_start3A_57 = arith.constant 0 : i32
        %dma_start3A_58 = tpu.memref_slice %arg11[%add3A, %dma_start3A_57] : memref<5128x128xf32, #tpu.memory_space<vmem_shared>> -> memref<64x128xf32, #tpu.memory_space<vmem_shared>>
        %dma_start3A_59 = arith.constant 0 : i32
        %dma_start3A_60 = tpu.memref_slice %arg11[%add3A, %dma_start3A_59] : memref<5128x128xf32, #tpu.memory_space<vmem_shared>> -> memref<64x128xf32, #tpu.memory_space<vmem_shared>>
        tpu.enqueue_dma source(%dma_start3A_60 : memref<64x128xf32, #tpu.memory_space<vmem_shared>>) target(%arg10 : memref<64x128xf32, #tpu.memory_space<vmem>>) target_semaphore(%run_scoped3A : memref<!tpu.dma_semaphore, #tpu.memory_space<semaphore_mem>>)
        %dma_wait3A = arith.constant 0 : i32
        %dma_wait3A_61 = tpu.memref_slice %arg11[%add3A, %dma_wait3A] : memref<5128x128xf32, #tpu.memory_space<vmem_shared>> -> memref<64x128xf32, #tpu.memory_space<vmem_shared>>
        %dma_wait3A_62 = arith.constant 0 : i32
        %dma_wait3A_63 = tpu.memref_slice %arg11[%add3A, %dma_wait3A_62] : memref<5128x128xf32, #tpu.memory_space<vmem_shared>> -> memref<64x128xf32, #tpu.memory_space<vmem_shared>>
        tpu.wait_dma2 semaphore(%run_scoped3A : memref<!tpu.dma_semaphore, #tpu.memory_space<semaphore_mem>>) src(%dma_wait3A_63 : memref<64x128xf32, #tpu.memory_space<vmem_shared>>) dst(%arg10 : memref<64x128xf32, #tpu.memory_space<vmem>>)
        tpu.yield
      }) : () -> ()
      %add3A_56 = arith.addi %mul3A_1, %add3A : i32
      "tpu.region"() ({
        %run_scoped3A = tpu.sem_alloc : memref<!tpu.dma_semaphore, #tpu.memory_space<semaphore_mem>>
        %dma_start3A_57 = arith.constant 0 : i32
        %dma_start3A_58 = tpu.memref_slice %arg5[%add3A_56, %dma_start3A_57] : memref<10240x128xf32, #tpu.memory_space<hbm>> -> memref<64x128xf32, #tpu.memory_space<hbm>>
        %dma_start3A_59 = arith.constant 0 : i32
        %dma_start3A_60 = tpu.memref_slice %arg5[%add3A_56, %dma_start3A_59] : memref<10240x128xf32, #tpu.memory_space<hbm>> -> memref<64x128xf32, #tpu.memory_space<hbm>>
        tpu.enqueue_dma source(%arg10 : memref<64x128xf32, #tpu.memory_space<vmem>>) target(%dma_start3A_60 : memref<64x128xf32, #tpu.memory_space<hbm>>) target_semaphore(%run_scoped3A : memref<!tpu.dma_semaphore, #tpu.memory_space<semaphore_mem>>)
        %dma_wait3A = arith.constant 0 : i32
        %dma_wait3A_61 = tpu.memref_slice %arg5[%add3A_56, %dma_wait3A] : memref<10240x128xf32, #tpu.memory_space<hbm>> -> memref<64x128xf32, #tpu.memory_space<hbm>>
        %dma_wait3A_62 = arith.constant 0 : i32
        %dma_wait3A_63 = tpu.memref_slice %arg5[%add3A_56, %dma_wait3A_62] : memref<10240x128xf32, #tpu.memory_space<hbm>> -> memref<64x128xf32, #tpu.memory_space<hbm>>
        tpu.wait_dma2 semaphore(%run_scoped3A : memref<!tpu.dma_semaphore, #tpu.memory_space<semaphore_mem>>) src(%arg10 : memref<64x128xf32, #tpu.memory_space<vmem>>) dst(%dma_wait3A_63 : memref<64x128xf32, #tpu.memory_space<hbm>>)
        tpu.yield
      }) : () -> ()
    }
    %scan3A_50 = arith.constant 5 : i32
    return
  }
}

#map = affine_map<(d0, d1) -> (0, 0, 0)>
#map1 = affine_map<(d0, d1) -> (0, 0)>
module attributes {stable_mosaic.version = 14 : i64} {
  func.func @_sc_degree(%arg0: i32, %arg1: i32, %arg2: memref<16x158x128xi32, #tpu.memory_space<hbm>>, %arg3: memref<2x10240xf32, #tpu.memory_space<hbm>>, %arg4: memref<158x128xi32, #tpu.memory_space<vmem>>, %arg5: memref<128xf32, #tpu.memory_space<vmem>>, %arg6: memref<640xf32, #tpu.memory_space<vmem>>, %arg7: memref<10240xf32, #tpu.memory_space<vmem_shared>>) attributes {dimension_semantics = [#tpu.dimension_semantics<core_parallel>, #tpu.dimension_semantics<subcore_parallel>], iteration_bounds = array<i64: 2, 16>, scalar_prefetch = 0 : i64, scratch_operands = 4 : i64, tpu.core_type = #tpu.core_type<sc_vector_subcore>, window_params = [{transform_indices = #map}, {transform_indices = #map1}]} {
    %broadcast_in_dim3A = arith.constant 1.000000e+00 : f32
    %broadcast_in_dim3A_0 = vector.broadcast %broadcast_in_dim3A : f32 to vector<16xf32>
    %broadcast_in_dim3A_1 = arith.constant 0.000000e+00 : f32
    %broadcast_in_dim3A_2 = vector.broadcast %broadcast_in_dim3A_1 : f32 to vector<16xf32>
    %scan3A = arith.constant 0 : i32
    %scan3A_3 = arith.constant 0 : i32
    %scan3A_4 = arith.constant 8 : i32
    %scan3A_5 = arith.addi %scan3A_3, %scan3A_4 : i32
    %scan3A_6 = arith.constant 1 : i32
    scf.for %scan3A_26 = %scan3A_3 to %scan3A_5 step %scan3A_6  : i32 {
      %mul3A_27 = arith.constant 16 : i32
      %mul3A_28 = arith.muli %scan3A_26, %mul3A_27 : i32
      %swap3A = arith.index_cast %mul3A_28 : i32 to index
      %swap3A_29 = tpu.vector_load %arg5[%swap3A] {strides = array<i32>} : memref<128xf32, #tpu.memory_space<vmem>>, vector<16xf32>,
      %swap3A_30 = vector.shape_cast %swap3A_29 : vector<16xf32> to vector<16xf32>
      %swap3A_31 = vector.shape_cast %broadcast_in_dim3A_0 : vector<16xf32> to vector<16xf32>
      tpu.vector_store %arg5[%swap3A], %swap3A_31 {strides = array<i32>} : memref<128xf32, #tpu.memory_space<vmem>>, vector<16xf32>,
    }
    %scan3A_7 = arith.constant 8 : i32
    %scan3A_8 = arith.constant 0 : i32
    %scan3A_9 = arith.constant 0 : i32
    %scan3A_10 = arith.constant 40 : i32
    %scan3A_11 = arith.addi %scan3A_9, %scan3A_10 : i32
    %scan3A_12 = arith.constant 1 : i32
    scf.for %scan3A_26 = %scan3A_9 to %scan3A_11 step %scan3A_12  : i32 {
      %mul3A_27 = arith.constant 16 : i32
      %mul3A_28 = arith.muli %scan3A_26, %mul3A_27 : i32
      %swap3A = arith.index_cast %mul3A_28 : i32 to index
      %swap3A_29 = tpu.vector_load %arg6[%swap3A] {strides = array<i32>} : memref<640xf32, #tpu.memory_space<vmem>>, vector<16xf32>,
      %swap3A_30 = vector.shape_cast %swap3A_29 : vector<16xf32> to vector<16xf32>
      %swap3A_31 = vector.shape_cast %broadcast_in_dim3A_2 : vector<16xf32> to vector<16xf32>
      tpu.vector_store %arg6[%swap3A], %swap3A_31 {strides = array<i32>} : memref<640xf32, #tpu.memory_space<vmem>>, vector<16xf32>,
    }
    %scan3A_13 = arith.constant 40 : i32
    %mul3A = arith.constant 640 : i32
    %mul3A_14 = arith.muli %arg1, %mul3A : i32
    "tpu.region"() ({
      %run_scoped3A = tpu.sem_alloc : memref<!tpu.dma_semaphore, #tpu.memory_space<semaphore_mem>>
      %dma_start3A = tpu.memref_slice %arg7[%mul3A_14] : memref<10240xf32, #tpu.memory_space<vmem_shared>> -> memref<640xf32, #tpu.memory_space<vmem_shared>>
      %dma_start3A_26 = tpu.memref_slice %arg7[%mul3A_14] : memref<10240xf32, #tpu.memory_space<vmem_shared>> -> memref<640xf32, #tpu.memory_space<vmem_shared>>
      tpu.enqueue_dma source(%arg6 : memref<640xf32, #tpu.memory_space<vmem>>) target(%dma_start3A_26 : memref<640xf32, #tpu.memory_space<vmem_shared>>) target_semaphore(%run_scoped3A : memref<!tpu.dma_semaphore, #tpu.memory_space<semaphore_mem>>)
      %dma_wait3A = tpu.memref_slice %arg7[%mul3A_14] : memref<10240xf32, #tpu.memory_space<vmem_shared>> -> memref<640xf32, #tpu.memory_space<vmem_shared>>
      %dma_wait3A_27 = tpu.memref_slice %arg7[%mul3A_14] : memref<10240xf32, #tpu.memory_space<vmem_shared>> -> memref<640xf32, #tpu.memory_space<vmem_shared>>
      tpu.wait_dma2 semaphore(%run_scoped3A : memref<!tpu.dma_semaphore, #tpu.memory_space<semaphore_mem>>) src(%arg6 : memref<640xf32, #tpu.memory_space<vmem>>) dst(%dma_wait3A_27 : memref<640xf32, #tpu.memory_space<vmem_shared>>)
      tpu.yield
    }) : () -> ()
    "tpu.region"() ({
      %run_scoped3A = tpu.sem_alloc : memref<!tpu.dma_semaphore, #tpu.memory_space<semaphore_mem>>
      %dma_start3A = arith.constant 0 : i32
      %dma_start3A_26 = arith.constant 0 : i32
      %dma_start3A_27 = tpu.memref_slice %arg2[%arg1, %dma_start3A, %dma_start3A_26] : memref<16x158x128xi32, #tpu.memory_space<hbm>> -> memref<1x158x128xi32, #tpu.memory_space<hbm>>
      %dma_start3A_28 = tpu.memref_squeeze %dma_start3A_27 : memref<1x158x128xi32, #tpu.memory_space<hbm>> -> memref<158x128xi32, #tpu.memory_space<hbm>>
      %dma_start3A_29 = arith.constant 0 : i32
      %dma_start3A_30 = arith.constant 0 : i32
      %dma_start3A_31 = tpu.memref_slice %arg2[%arg1, %dma_start3A_29, %dma_start3A_30] : memref<16x158x128xi32, #tpu.memory_space<hbm>> -> memref<1x158x128xi32, #tpu.memory_space<hbm>>
      %dma_start3A_32 = tpu.memref_squeeze %dma_start3A_31 : memref<1x158x128xi32, #tpu.memory_space<hbm>> -> memref<158x128xi32, #tpu.memory_space<hbm>>
      tpu.enqueue_dma source(%dma_start3A_32 : memref<158x128xi32, #tpu.memory_space<hbm>>) target(%arg4 : memref<158x128xi32, #tpu.memory_space<vmem>>) target_semaphore(%run_scoped3A : memref<!tpu.dma_semaphore, #tpu.memory_space<semaphore_mem>>)
      %dma_wait3A = arith.constant 0 : i32
      %dma_wait3A_33 = arith.constant 0 : i32
      %dma_wait3A_34 = tpu.memref_slice %arg2[%arg1, %dma_wait3A, %dma_wait3A_33] : memref<16x158x128xi32, #tpu.memory_space<hbm>> -> memref<1x158x128xi32, #tpu.memory_space<hbm>>
      %dma_wait3A_35 = tpu.memref_squeeze %dma_wait3A_34 : memref<1x158x128xi32, #tpu.memory_space<hbm>> -> memref<158x128xi32, #tpu.memory_space<hbm>>
      %dma_wait3A_36 = arith.constant 0 : i32
      %dma_wait3A_37 = arith.constant 0 : i32
      %dma_wait3A_38 = tpu.memref_slice %arg2[%arg1, %dma_wait3A_36, %dma_wait3A_37] : memref<16x158x128xi32, #tpu.memory_space<hbm>> -> memref<1x158x128xi32, #tpu.memory_space<hbm>>
      %dma_wait3A_39 = tpu.memref_squeeze %dma_wait3A_38 : memref<1x158x128xi32, #tpu.memory_space<hbm>> -> memref<158x128xi32, #tpu.memory_space<hbm>>
      tpu.wait_dma2 semaphore(%run_scoped3A : memref<!tpu.dma_semaphore, #tpu.memory_space<semaphore_mem>>) src(%dma_wait3A_39 : memref<158x128xi32, #tpu.memory_space<hbm>>) dst(%arg4 : memref<158x128xi32, #tpu.memory_space<vmem>>)
      tpu.yield
    }) : () -> ()
    %barrier3A = arith.constant 0 : index
    tpu.barrier barrier_id(%barrier3A)
    %scan3A_15 = arith.constant 0 : i32
    %scan3A_16 = arith.constant 0 : i32
    %scan3A_17 = arith.constant 158 : i32
    %scan3A_18 = arith.addi %scan3A_16, %scan3A_17 : i32
    %scan3A_19 = arith.constant 1 : i32
    scf.for %scan3A_26 = %scan3A_16 to %scan3A_18 step %scan3A_19  : i32 {
      "tpu.region"() ({
        %run_scoped3A = tpu.sem_alloc : memref<!tpu.dma_semaphore, #tpu.memory_space<semaphore_mem>>
        %dma_start3A = arith.constant 0 : i32
        %dma_start3A_27 = tpu.memref_slice %arg4[%scan3A_26, %dma_start3A] : memref<158x128xi32, #tpu.memory_space<vmem>> -> memref<1x128xi32, #tpu.memory_space<vmem>>
        %dma_start3A_28 = tpu.memref_squeeze %dma_start3A_27 : memref<1x128xi32, #tpu.memory_space<vmem>> -> memref<128xi32, #tpu.memory_space<vmem>>
        %dma_start3A_29 = arith.constant 0 : i32
        %dma_start3A_30 = tpu.memref_slice %arg7[%dma_start3A_29] : memref<10240xf32, #tpu.memory_space<vmem_shared>> -> memref<10240xf32, #tpu.memory_space<vmem_shared>>
        tpu.enqueue_indirect_dma source(%arg5 : memref<128xf32, #tpu.memory_space<vmem>>) target(%dma_start3A_30 : memref<10240xf32, #tpu.memory_space<vmem_shared>>) offsets(%dma_start3A_28 : memref<128xi32, #tpu.memory_space<vmem>>) semaphore(%run_scoped3A : memref<!tpu.dma_semaphore, #tpu.memory_space<semaphore_mem>>) {add = true}
        %dma_wait3A = arith.constant 0 : i32
        %dma_wait3A_31 = tpu.memref_slice %arg4[%scan3A_26, %dma_wait3A] : memref<158x128xi32, #tpu.memory_space<vmem>> -> memref<1x128xi32, #tpu.memory_space<vmem>>
        %dma_wait3A_32 = tpu.memref_squeeze %dma_wait3A_31 : memref<1x128xi32, #tpu.memory_space<vmem>> -> memref<128xi32, #tpu.memory_space<vmem>>
        %dma_wait3A_33 = arith.constant 0 : i32
        %dma_wait3A_34 = tpu.memref_slice %arg7[%dma_wait3A_33] : memref<10240xf32, #tpu.memory_space<vmem_shared>> -> memref<10240xf32, #tpu.memory_space<vmem_shared>>
        tpu.wait_indirect_dma semaphore(%run_scoped3A : memref<!tpu.dma_semaphore, #tpu.memory_space<semaphore_mem>>) src(%arg5 : memref<128xf32, #tpu.memory_space<vmem>>) dst(%dma_wait3A_34 : memref<10240xf32, #tpu.memory_space<vmem_shared>>)
        tpu.yield
      }) : () -> ()
    }
    %scan3A_20 = arith.constant 158 : i32
    %barrier3A_21 = arith.constant 0 : index
    tpu.barrier barrier_id(%barrier3A_21)
    %mul3A_22 = arith.constant 640 : i32
    %mul3A_23 = arith.muli %arg1, %mul3A_22 : i32
    "tpu.region"() ({
      %run_scoped3A = tpu.sem_alloc : memref<!tpu.dma_semaphore, #tpu.memory_space<semaphore_mem>>
      %dma_start3A = tpu.memref_slice %arg7[%mul3A_23] : memref<10240xf32, #tpu.memory_space<vmem_shared>> -> memref<640xf32, #tpu.memory_space<vmem_shared>>
      %dma_start3A_26 = tpu.memref_slice %arg7[%mul3A_23] : memref<10240xf32, #tpu.memory_space<vmem_shared>> -> memref<640xf32, #tpu.memory_space<vmem_shared>>
      tpu.enqueue_dma source(%dma_start3A_26 : memref<640xf32, #tpu.memory_space<vmem_shared>>) target(%arg6 : memref<640xf32, #tpu.memory_space<vmem>>) target_semaphore(%run_scoped3A : memref<!tpu.dma_semaphore, #tpu.memory_space<semaphore_mem>>)
      %dma_wait3A = tpu.memref_slice %arg7[%mul3A_23] : memref<10240xf32, #tpu.memory_space<vmem_shared>> -> memref<640xf32, #tpu.memory_space<vmem_shared>>
      %dma_wait3A_27 = tpu.memref_slice %arg7[%mul3A_23] : memref<10240xf32, #tpu.memory_space<vmem_shared>> -> memref<640xf32, #tpu.memory_space<vmem_shared>>
      tpu.wait_dma2 semaphore(%run_scoped3A : memref<!tpu.dma_semaphore, #tpu.memory_space<semaphore_mem>>) src(%dma_wait3A_27 : memref<640xf32, #tpu.memory_space<vmem_shared>>) dst(%arg6 : memref<640xf32, #tpu.memory_space<vmem>>)
      tpu.yield
    }) : () -> ()
    %mul3A_24 = arith.constant 640 : i32
    %mul3A_25 = arith.muli %arg1, %mul3A_24 : i32
    "tpu.region"() ({
      %run_scoped3A = tpu.sem_alloc : memref<!tpu.dma_semaphore, #tpu.memory_space<semaphore_mem>>
      %dma_start3A = tpu.memref_slice %arg3[%arg0, %mul3A_25] : memref<2x10240xf32, #tpu.memory_space<hbm>> -> memref<1x640xf32, #tpu.memory_space<hbm>>
      %dma_start3A_26 = tpu.memref_squeeze %dma_start3A : memref<1x640xf32, #tpu.memory_space<hbm>> -> memref<640xf32, #tpu.memory_space<hbm>>
      %dma_start3A_27 = tpu.memref_slice %arg3[%arg0, %mul3A_25] : memref<2x10240xf32, #tpu.memory_space<hbm>> -> memref<1x640xf32, #tpu.memory_space<hbm>>
      %dma_start3A_28 = tpu.memref_squeeze %dma_start3A_27 : memref<1x640xf32, #tpu.memory_space<hbm>> -> memref<640xf32, #tpu.memory_space<hbm>>
      tpu.enqueue_dma source(%arg6 : memref<640xf32, #tpu.memory_space<vmem>>) target(%dma_start3A_28 : memref<640xf32, #tpu.memory_space<hbm>>) target_semaphore(%run_scoped3A : memref<!tpu.dma_semaphore, #tpu.memory_space<semaphore_mem>>)
      %dma_wait3A = tpu.memref_slice %arg3[%arg0, %mul3A_25] : memref<2x10240xf32, #tpu.memory_space<hbm>> -> memref<1x640xf32, #tpu.memory_space<hbm>>
      %dma_wait3A_29 = tpu.memref_squeeze %dma_wait3A : memref<1x640xf32, #tpu.memory_space<hbm>> -> memref<640xf32, #tpu.memory_space<hbm>>
      %dma_wait3A_30 = tpu.memref_slice %arg3[%arg0, %mul3A_25] : memref<2x10240xf32, #tpu.memory_space<hbm>> -> memref<1x640xf32, #tpu.memory_space<hbm>>
      %dma_wait3A_31 = tpu.memref_squeeze %dma_wait3A_30 : memref<1x640xf32, #tpu.memory_space<hbm>> -> memref<640xf32, #tpu.memory_space<hbm>>
      tpu.wait_dma2 semaphore(%run_scoped3A : memref<!tpu.dma_semaphore, #tpu.memory_space<semaphore_mem>>) src(%arg6 : memref<640xf32, #tpu.memory_space<vmem>>) dst(%dma_wait3A_31 : memref<640xf32, #tpu.memory_space<hbm>>)
      tpu.yield
    }) : () -> ()
    return
  }
}

#map = affine_map<(d0, d1) -> (0, 0)>
#map1 = affine_map<(d0, d1) -> (0, 0, 0)>
module attributes {stable_mosaic.version = 14 : i64} {
  func.func @_sc_propagate(%arg0: i32, %arg1: i32, %arg2: memref<10240x128xf32, #tpu.memory_space<hbm>>, %arg3: memref<16x158x128xi32, #tpu.memory_space<hbm>>, %arg4: memref<16x158x128xi32, #tpu.memory_space<hbm>>, %arg5: memref<10240x128xf32, #tpu.memory_space<hbm>>, %arg6: memref<158x128xi32, #tpu.memory_space<vmem>>, %arg7: memref<158x128xi32, #tpu.memory_space<vmem>>, %arg8: memref<128x128xf32, #tpu.memory_space<vmem>>, %arg9: memref<128x128xf32, #tpu.memory_space<vmem>>, %arg10: memref<64x128xf32, #tpu.memory_space<vmem>>, %arg11: memref<5128x128xf32, #tpu.memory_space<vmem_shared>>, %arg12: memref<!tpu.dma_semaphore, #tpu.memory_space<semaphore_mem>>, %arg13: memref<!tpu.dma_semaphore, #tpu.memory_space<semaphore_mem>>, %arg14: memref<!tpu.dma_semaphore, #tpu.memory_space<semaphore_mem>>, %arg15: memref<!tpu.dma_semaphore, #tpu.memory_space<semaphore_mem>>) attributes {dimension_semantics = [#tpu.dimension_semantics<core_parallel>, #tpu.dimension_semantics<subcore_parallel>], iteration_bounds = array<i64: 2, 16>, scalar_prefetch = 0 : i64, scratch_operands = 10 : i64, tpu.core_type = #tpu.core_type<sc_vector_subcore>, window_params = [{transform_indices = #map}, {transform_indices = #map1}, {transform_indices = #map1}, {transform_indices = #map}]} {
    %broadcast_in_dim3A = arith.constant 0.000000e+00 : f32
    %broadcast_in_dim3A_0 = vector.broadcast %broadcast_in_dim3A : f32 to vector<16xf32>
    %mul3A = arith.constant 5120 : i32
    %mul3A_1 = arith.muli %arg0, %mul3A : i32
    "tpu.region"() ({
      %run_scoped3A = tpu.sem_alloc : memref<!tpu.dma_semaphore, #tpu.memory_space<semaphore_mem>>
      %dma_start3A_51 = arith.constant 0 : i32
      %dma_start3A_52 = arith.constant 0 : i32
      %dma_start3A_53 = tpu.memref_slice %arg3[%arg1, %dma_start3A_51, %dma_start3A_52] : memref<16x158x128xi32, #tpu.memory_space<hbm>> -> memref<1x158x128xi32, #tpu.memory_space<hbm>>
      %dma_start3A_54 = tpu.memref_squeeze %dma_start3A_53 : memref<1x158x128xi32, #tpu.memory_space<hbm>> -> memref<158x128xi32, #tpu.memory_space<hbm>>
      %dma_start3A_55 = arith.constant 0 : i32
      %dma_start3A_56 = arith.constant 0 : i32
      %dma_start3A_57 = tpu.memref_slice %arg3[%arg1, %dma_start3A_55, %dma_start3A_56] : memref<16x158x128xi32, #tpu.memory_space<hbm>> -> memref<1x158x128xi32, #tpu.memory_space<hbm>>
      %dma_start3A_58 = tpu.memref_squeeze %dma_start3A_57 : memref<1x158x128xi32, #tpu.memory_space<hbm>> -> memref<158x128xi32, #tpu.memory_space<hbm>>
      tpu.enqueue_dma source(%dma_start3A_58 : memref<158x128xi32, #tpu.memory_space<hbm>>) target(%arg6 : memref<158x128xi32, #tpu.memory_space<vmem>>) target_semaphore(%run_scoped3A : memref<!tpu.dma_semaphore, #tpu.memory_space<semaphore_mem>>)
      %dma_wait3A = arith.constant 0 : i32
      %dma_wait3A_59 = arith.constant 0 : i32
      %dma_wait3A_60 = tpu.memref_slice %arg3[%arg1, %dma_wait3A, %dma_wait3A_59] : memref<16x158x128xi32, #tpu.memory_space<hbm>> -> memref<1x158x128xi32, #tpu.memory_space<hbm>>
      %dma_wait3A_61 = tpu.memref_squeeze %dma_wait3A_60 : memref<1x158x128xi32, #tpu.memory_space<hbm>> -> memref<158x128xi32, #tpu.memory_space<hbm>>
      %dma_wait3A_62 = arith.constant 0 : i32
      %dma_wait3A_63 = arith.constant 0 : i32
      %dma_wait3A_64 = tpu.memref_slice %arg3[%arg1, %dma_wait3A_62, %dma_wait3A_63] : memref<16x158x128xi32, #tpu.memory_space<hbm>> -> memref<1x158x128xi32, #tpu.memory_space<hbm>>
      %dma_wait3A_65 = tpu.memref_squeeze %dma_wait3A_64 : memref<1x158x128xi32, #tpu.memory_space<hbm>> -> memref<158x128xi32, #tpu.memory_space<hbm>>
      tpu.wait_dma2 semaphore(%run_scoped3A : memref<!tpu.dma_semaphore, #tpu.memory_space<semaphore_mem>>) src(%dma_wait3A_65 : memref<158x128xi32, #tpu.memory_space<hbm>>) dst(%arg6 : memref<158x128xi32, #tpu.memory_space<vmem>>)
      tpu.yield
    }) : () -> ()
    "tpu.region"() ({
      %run_scoped3A = tpu.sem_alloc : memref<!tpu.dma_semaphore, #tpu.memory_space<semaphore_mem>>
      %dma_start3A_51 = arith.constant 0 : i32
      %dma_start3A_52 = arith.constant 0 : i32
      %dma_start3A_53 = tpu.memref_slice %arg4[%arg1, %dma_start3A_51, %dma_start3A_52] : memref<16x158x128xi32, #tpu.memory_space<hbm>> -> memref<1x158x128xi32, #tpu.memory_space<hbm>>
      %dma_start3A_54 = tpu.memref_squeeze %dma_start3A_53 : memref<1x158x128xi32, #tpu.memory_space<hbm>> -> memref<158x128xi32, #tpu.memory_space<hbm>>
      %dma_start3A_55 = arith.constant 0 : i32
      %dma_start3A_56 = arith.constant 0 : i32
      %dma_start3A_57 = tpu.memref_slice %arg4[%arg1, %dma_start3A_55, %dma_start3A_56] : memref<16x158x128xi32, #tpu.memory_space<hbm>> -> memref<1x158x128xi32, #tpu.memory_space<hbm>>
      %dma_start3A_58 = tpu.memref_squeeze %dma_start3A_57 : memref<1x158x128xi32, #tpu.memory_space<hbm>> -> memref<158x128xi32, #tpu.memory_space<hbm>>
      tpu.enqueue_dma source(%dma_start3A_58 : memref<158x128xi32, #tpu.memory_space<hbm>>) target(%arg7 : memref<158x128xi32, #tpu.memory_space<vmem>>) target_semaphore(%run_scoped3A : memref<!tpu.dma_semaphore, #tpu.memory_space<semaphore_mem>>)
      %dma_wait3A = arith.constant 0 : i32
      %dma_wait3A_59 = arith.constant 0 : i32
      %dma_wait3A_60 = tpu.memref_slice %arg4[%arg1, %dma_wait3A, %dma_wait3A_59] : memref<16x158x128xi32, #tpu.memory_space<hbm>> -> memref<1x158x128xi32, #tpu.memory_space<hbm>>
      %dma_wait3A_61 = tpu.memref_squeeze %dma_wait3A_60 : memref<1x158x128xi32, #tpu.memory_space<hbm>> -> memref<158x128xi32, #tpu.memory_space<hbm>>
      %dma_wait3A_62 = arith.constant 0 : i32
      %dma_wait3A_63 = arith.constant 0 : i32
      %dma_wait3A_64 = tpu.memref_slice %arg4[%arg1, %dma_wait3A_62, %dma_wait3A_63] : memref<16x158x128xi32, #tpu.memory_space<hbm>> -> memref<1x158x128xi32, #tpu.memory_space<hbm>>
      %dma_wait3A_65 = tpu.memref_squeeze %dma_wait3A_64 : memref<1x158x128xi32, #tpu.memory_space<hbm>> -> memref<158x128xi32, #tpu.memory_space<hbm>>
      tpu.wait_dma2 semaphore(%run_scoped3A : memref<!tpu.dma_semaphore, #tpu.memory_space<semaphore_mem>>) src(%dma_wait3A_65 : memref<158x128xi32, #tpu.memory_space<hbm>>) dst(%arg7 : memref<158x128xi32, #tpu.memory_space<vmem>>)
      tpu.yield
    }) : () -> ()
    %dma_start3A = arith.constant 0 : i32
    %dma_start3A_2 = arith.constant 0 : i32
    %dma_start3A_3 = arith.constant 0 : i32
    %dma_start3A_4 = tpu.memref_slice %arg8[%dma_start3A_2, %dma_start3A_3] : memref<128x128xf32, #tpu.memory_space<vmem>> -> memref<64x128xf32, #tpu.memory_space<vmem>>
    %dma_start3A_5 = arith.constant 0 : i32
    %dma_start3A_6 = tpu.memref_slice %arg6[%dma_start3A, %dma_start3A_5] : memref<158x128xi32, #tpu.memory_space<vmem>> -> memref<1x64xi32, #tpu.memory_space<vmem>>
    %dma_start3A_7 = tpu.memref_squeeze %dma_start3A_6 : memref<1x64xi32, #tpu.memory_space<vmem>> -> memref<64xi32, #tpu.memory_space<vmem>>
    %dma_start3A_8 = arith.constant 0 : i32
    %dma_start3A_9 = arith.constant 0 : i32
    %dma_start3A_10 = tpu.memref_slice %arg2[%dma_start3A_8, %dma_start3A_9] : memref<10240x128xf32, #tpu.memory_space<hbm>> -> memref<10240x128xf32, #tpu.memory_space<hbm>>
    tpu.enqueue_indirect_dma source(%dma_start3A_10 : memref<10240x128xf32, #tpu.memory_space<hbm>>) target(%dma_start3A_4 : memref<64x128xf32, #tpu.memory_space<vmem>>) offsets(%dma_start3A_7 : memref<64xi32, #tpu.memory_space<vmem>>) semaphore(%arg12 : memref<!tpu.dma_semaphore, #tpu.memory_space<semaphore_mem>>)
    %dma_start3A_11 = arith.constant 0 : i32
    %dma_start3A_12 = arith.constant 64 : i32
    %dma_start3A_13 = arith.constant 0 : i32
    %dma_start3A_14 = tpu.memref_slice %arg8[%dma_start3A_12, %dma_start3A_13] : memref<128x128xf32, #tpu.memory_space<vmem>> -> memref<64x128xf32, #tpu.memory_space<vmem>>
    %dma_start3A_15 = arith.constant 64 : i32
    %dma_start3A_16 = tpu.memref_slice %arg6[%dma_start3A_11, %dma_start3A_15] : memref<158x128xi32, #tpu.memory_space<vmem>> -> memref<1x64xi32, #tpu.memory_space<vmem>>
    %dma_start3A_17 = tpu.memref_squeeze %dma_start3A_16 : memref<1x64xi32, #tpu.memory_space<vmem>> -> memref<64xi32, #tpu.memory_space<vmem>>
    %dma_start3A_18 = arith.constant 0 : i32
    %dma_start3A_19 = arith.constant 0 : i32
    %dma_start3A_20 = tpu.memref_slice %arg2[%dma_start3A_18, %dma_start3A_19] : memref<10240x128xf32, #tpu.memory_space<hbm>> -> memref<10240x128xf32, #tpu.memory_space<hbm>>
    tpu.enqueue_indirect_dma source(%dma_start3A_20 : memref<10240x128xf32, #tpu.memory_space<hbm>>) target(%dma_start3A_14 : memref<64x128xf32, #tpu.memory_space<vmem>>) offsets(%dma_start3A_17 : memref<64xi32, #tpu.memory_space<vmem>>) semaphore(%arg13 : memref<!tpu.dma_semaphore, #tpu.memory_space<semaphore_mem>>)
    %scan3A = arith.constant 0 : i32
    %scan3A_21 = arith.constant 0 : i32
    %scan3A_22 = arith.constant 512 : i32
    %scan3A_23 = arith.addi %scan3A_21, %scan3A_22 : i32
    %scan3A_24 = arith.constant 1 : i32
    scf.for %scan3A_51 = %scan3A_21 to %scan3A_23 step %scan3A_24  : i32 {
      %jit3A = arith.constant 8 : i32
      %div3A = arith.divsi %scan3A_51, %jit3A : i32
      %sign3A = arith.constant 0 : i32
      %sign3A_52 = arith.cmpi sgt, %scan3A_51, %sign3A : i32
      %sign3A_53 = arith.extui %sign3A_52 : i1 to i32
      %sign3A_54 = arith.constant 0 : i32
      %sign3A_55 = arith.cmpi slt, %scan3A_51, %sign3A_54 : i32
      %sign3A_56 = arith.extui %sign3A_55 : i1 to i32
      %sign3A_57 = arith.subi %sign3A_53, %sign3A_56 : i32
      %sign3A_58 = arith.constant 0 : i32
      %sign3A_59 = arith.cmpi sgt, %jit3A, %sign3A_58 : i32
      %sign3A_60 = arith.extui %sign3A_59 : i1 to i32
      %sign3A_61 = arith.constant 0 : i32
      %sign3A_62 = arith.cmpi slt, %jit3A, %sign3A_61 : i32
      %sign3A_63 = arith.extui %sign3A_62 : i1 to i32
      %sign3A_64 = arith.subi %sign3A_60, %sign3A_63 : i32
      %ne3A = arith.cmpi ne, %sign3A_57, %sign3A_64 : i32
      %rem3A = arith.remsi %scan3A_51, %jit3A : i32
      %ne3A_65 = arith.constant 0 : i32
      %ne3A_66 = arith.cmpi ne, %rem3A, %ne3A_65 : i32
      %and3A = arith.andi %ne3A, %ne3A_66 : i1
      %sub3A = arith.constant 1 : i32
      %sub3A_67 = arith.subi %div3A, %sub3A : i32
      %select_n3A = arith.select %and3A, %sub3A_67, %div3A : i32
      %jit3A_68 = arith.constant 8 : i32
      %eq3A = arith.constant 0 : i32
      %eq3A_69 = arith.cmpi eq, %jit3A_68, %eq3A : i32
      %jit3A_70 = arith.constant 1 : i32
      %select_n3A_71 = arith.select %eq3A_69, %jit3A_70, %jit3A_68 : i32
      %rem3A_72 = arith.remsi %scan3A_51, %select_n3A_71 : i32
      %ne3A_73 = arith.constant 0 : i32
      %ne3A_74 = arith.cmpi ne, %rem3A_72, %ne3A_73 : i32
      %lt3A = arith.constant 0 : i32
      %lt3A_75 = arith.cmpi slt, %rem3A_72, %lt3A : i32
      %lt3A_76 = arith.constant 0 : i32
      %lt3A_77 = arith.cmpi slt, %select_n3A_71, %lt3A_76 : i32
      %ne3A_78 = arith.xori %lt3A_75, %lt3A_77 : i1
      %and3A_79 = arith.andi %ne3A_78, %ne3A_74 : i1
      %add3A = arith.addi %rem3A_72, %select_n3A_71 : i32
      %select_n3A_80 = arith.select %and3A_79, %add3A, %rem3A_72 : i32
      %mul3A_81 = arith.constant 16 : i32
      %mul3A_82 = arith.muli %select_n3A_80, %mul3A_81 : i32
      %swap3A = arith.index_cast %select_n3A : i32 to index
      %swap3A_83 = arith.index_cast %mul3A_82 : i32 to index
      %swap3A_84 = tpu.vector_load %arg10[%swap3A, %swap3A_83] {strides = array<i32>} : memref<64x128xf32, #tpu.memory_space<vmem>>, vector<1x16xf32>,
      %swap3A_85 = vector.shape_cast %swap3A_84 : vector<1x16xf32> to vector<16xf32>
      %swap3A_86 = vector.shape_cast %broadcast_in_dim3A_0 : vector<16xf32> to vector<1x16xf32>
      tpu.vector_store %arg10[%swap3A, %swap3A_83], %swap3A_86 {strides = array<i32>} : memref<64x128xf32, #tpu.memory_space<vmem>>, vector<1x16xf32>,
    }
    %scan3A_25 = arith.constant 512 : i32
    %scan3A_26 = arith.constant 0 : i32
    %scan3A_27 = arith.constant 0 : i32
    %scan3A_28 = arith.constant 5 : i32
    %scan3A_29 = arith.addi %scan3A_27, %scan3A_28 : i32
    %scan3A_30 = arith.constant 1 : i32
    scf.for %scan3A_51 = %scan3A_27 to %scan3A_29 step %scan3A_30  : i32 {
      %mul3A_52 = arith.constant 320 : i32
      %mul3A_53 = arith.muli %arg1, %mul3A_52 : i32
      %mul3A_54 = arith.constant 64 : i32
      %mul3A_55 = arith.muli %scan3A_51, %mul3A_54 : i32
      %add3A = arith.addi %mul3A_53, %mul3A_55 : i32
      "tpu.region"() ({
        %run_scoped3A = tpu.sem_alloc : memref<!tpu.dma_semaphore, #tpu.memory_space<semaphore_mem>>
        %dma_start3A_56 = arith.constant 0 : i32
        %dma_start3A_57 = tpu.memref_slice %arg11[%add3A, %dma_start3A_56] : memref<5128x128xf32, #tpu.memory_space<vmem_shared>> -> memref<64x128xf32, #tpu.memory_space<vmem_shared>>
        %dma_start3A_58 = arith.constant 0 : i32
        %dma_start3A_59 = tpu.memref_slice %arg11[%add3A, %dma_start3A_58] : memref<5128x128xf32, #tpu.memory_space<vmem_shared>> -> memref<64x128xf32, #tpu.memory_space<vmem_shared>>
        tpu.enqueue_dma source(%arg10 : memref<64x128xf32, #tpu.memory_space<vmem>>) target(%dma_start3A_59 : memref<64x128xf32, #tpu.memory_space<vmem_shared>>) target_semaphore(%run_scoped3A : memref<!tpu.dma_semaphore, #tpu.memory_space<semaphore_mem>>)
        %dma_wait3A = arith.constant 0 : i32
        %dma_wait3A_60 = tpu.memref_slice %arg11[%add3A, %dma_wait3A] : memref<5128x128xf32, #tpu.memory_space<vmem_shared>> -> memref<64x128xf32, #tpu.memory_space<vmem_shared>>
        %dma_wait3A_61 = arith.constant 0 : i32
        %dma_wait3A_62 = tpu.memref_slice %arg11[%add3A, %dma_wait3A_61] : memref<5128x128xf32, #tpu.memory_space<vmem_shared>> -> memref<64x128xf32, #tpu.memory_space<vmem_shared>>
        tpu.wait_dma2 semaphore(%run_scoped3A : memref<!tpu.dma_semaphore, #tpu.memory_space<semaphore_mem>>) src(%arg10 : memref<64x128xf32, #tpu.memory_space<vmem>>) dst(%dma_wait3A_62 : memref<64x128xf32, #tpu.memory_space<vmem_shared>>)
        tpu.yield
      }) : () -> ()
    }
    %scan3A_31 = arith.constant 5 : i32
    %scan3A_32 = arith.constant 0 : i32
    %scan3A_33 = arith.constant 0 : i32
    %scan3A_34 = arith.constant 1264 : i32
    %scan3A_35 = arith.addi %scan3A_33, %scan3A_34 : i32
    %scan3A_36 = arith.constant 1 : i32
    scf.for %scan3A_51 = %scan3A_33 to %scan3A_35 step %scan3A_36  : i32 {
      %jit3A = arith.constant 8 : i32
      %div3A = arith.divsi %scan3A_51, %jit3A : i32
      %sign3A = arith.constant 0 : i32
      %sign3A_52 = arith.cmpi sgt, %scan3A_51, %sign3A : i32
      %sign3A_53 = arith.extui %sign3A_52 : i1 to i32
      %sign3A_54 = arith.constant 0 : i32
      %sign3A_55 = arith.cmpi slt, %scan3A_51, %sign3A_54 : i32
      %sign3A_56 = arith.extui %sign3A_55 : i1 to i32
      %sign3A_57 = arith.subi %sign3A_53, %sign3A_56 : i32
      %sign3A_58 = arith.constant 0 : i32
      %sign3A_59 = arith.cmpi sgt, %jit3A, %sign3A_58 : i32
      %sign3A_60 = arith.extui %sign3A_59 : i1 to i32
      %sign3A_61 = arith.constant 0 : i32
      %sign3A_62 = arith.cmpi slt, %jit3A, %sign3A_61 : i32
      %sign3A_63 = arith.extui %sign3A_62 : i1 to i32
      %sign3A_64 = arith.subi %sign3A_60, %sign3A_63 : i32
      %ne3A = arith.cmpi ne, %sign3A_57, %sign3A_64 : i32
      %rem3A = arith.remsi %scan3A_51, %jit3A : i32
      %ne3A_65 = arith.constant 0 : i32
      %ne3A_66 = arith.cmpi ne, %rem3A, %ne3A_65 : i32
      %and3A = arith.andi %ne3A, %ne3A_66 : i1
      %sub3A = arith.constant 1 : i32
      %sub3A_67 = arith.subi %div3A, %sub3A : i32
      %select_n3A = arith.select %and3A, %sub3A_67, %div3A : i32
      %jit3A_68 = arith.constant 8 : i32
      %eq3A = arith.constant 0 : i32
      %eq3A_69 = arith.cmpi eq, %jit3A_68, %eq3A : i32
      %jit3A_70 = arith.constant 1 : i32
      %select_n3A_71 = arith.select %eq3A_69, %jit3A_70, %jit3A_68 : i32
      %rem3A_72 = arith.remsi %scan3A_51, %select_n3A_71 : i32
      %ne3A_73 = arith.constant 0 : i32
      %ne3A_74 = arith.cmpi ne, %rem3A_72, %ne3A_73 : i32
      %lt3A = arith.constant 0 : i32
      %lt3A_75 = arith.cmpi slt, %rem3A_72, %lt3A : i32
      %lt3A_76 = arith.constant 0 : i32
      %lt3A_77 = arith.cmpi slt, %select_n3A_71, %lt3A_76 : i32
      %ne3A_78 = arith.xori %lt3A_75, %lt3A_77 : i1
      %and3A_79 = arith.andi %ne3A_78, %ne3A_74 : i1
      %add3A = arith.addi %rem3A_72, %select_n3A_71 : i32
      %select_n3A_80 = arith.select %and3A_79, %add3A, %rem3A_72 : i32
      %mul3A_81 = arith.constant 16 : i32
      %mul3A_82 = arith.muli %select_n3A_80, %mul3A_81 : i32
      %get3A = arith.index_cast %select_n3A : i32 to index
      %get3A_83 = arith.index_cast %mul3A_82 : i32 to index
      %get3A_84 = tpu.vector_load %arg7[%get3A, %get3A_83] {strides = array<i32>} : memref<158x128xi32, #tpu.memory_space<vmem>>, vector<1x16xi32>,
      %get3A_85 = vector.shape_cast %get3A_84 : vector<1x16xi32> to vector<16xi32>
      %sub3A_86 = vector.broadcast %mul3A_1 : i32 to vector<16xi32>
      %sub3A_87 = arith.subi %get3A_85, %sub3A_86 : vector<16xi32>
      %ge3A = arith.constant 0 : i32
      %ge3A_88 = vector.broadcast %ge3A : i32 to vector<16xi32>
      %ge3A_89 = arith.cmpi sge, %sub3A_87, %ge3A_88 : vector<16xi32>
      %lt3A_90 = arith.constant 5120 : i32
      %lt3A_91 = vector.broadcast %lt3A_90 : i32 to vector<16xi32>
      %lt3A_92 = arith.cmpi slt, %sub3A_87, %lt3A_91 : vector<16xi32>
      %and3A_93 = arith.andi %ge3A_89, %lt3A_92 : vector<16xi1>
      %jit3A_94 = arith.constant 5120 : i32
      %broadcast_in_dim3A_95 = vector.broadcast %jit3A_94 : i32 to vector<16xi32>
      %select_n3A_96 = arith.select %and3A_93, %sub3A_87, %broadcast_in_dim3A_95 : vector<16xi1>, vector<16xi32>
      %swap3A = arith.index_cast %select_n3A : i32 to index
      %swap3A_97 = arith.index_cast %mul3A_82 : i32 to index
      %swap3A_98 = tpu.vector_load %arg7[%swap3A, %swap3A_97] {strides = array<i32>} : memref<158x128xi32, #tpu.memory_space<vmem>>, vector<1x16xi32>,
      %swap3A_99 = vector.shape_cast %swap3A_98 : vector<1x16xi32> to vector<16xi32>
      %swap3A_100 = vector.shape_cast %select_n3A_96 : vector<16xi32> to vector<1x16xi32>
      tpu.vector_store %arg7[%swap3A, %swap3A_97], %swap3A_100 {strides = array<i32>} : memref<158x128xi32, #tpu.memory_space<vmem>>, vector<1x16xi32>,
    }
    %scan3A_37 = arith.constant 1264 : i32
    %barrier3A = arith.constant 0 : index
    tpu.barrier barrier_id(%barrier3A)
    %scan3A_38 = arith.constant 0 : i32
    %scan3A_39 = arith.constant 0 : i32
    %scan3A_40 = arith.constant 79 : i32
    %scan3A_41 = arith.addi %scan3A_39, %scan3A_40 : i32
    %scan3A_42 = arith.constant 1 : i32
    scf.for %scan3A_51 = %scan3A_39 to %scan3A_41 step %scan3A_42  : i32 {
      %mul3A_52 = arith.constant 2 : i32
      %mul3A_53 = arith.muli %mul3A_52, %scan3A_51 : i32
      %add3A = arith.constant 1 : i32
      %add3A_54 = arith.addi %mul3A_53, %add3A : i32
      %dma_start3A_55 = arith.constant 0 : i32
      %dma_start3A_56 = arith.constant 0 : i32
      %dma_start3A_57 = tpu.memref_slice %arg9[%dma_start3A_55, %dma_start3A_56] : memref<128x128xf32, #tpu.memory_space<vmem>> -> memref<64x128xf32, #tpu.memory_space<vmem>>
      %dma_start3A_58 = arith.constant 0 : i32
      %dma_start3A_59 = tpu.memref_slice %arg6[%add3A_54, %dma_start3A_58] : memref<158x128xi32, #tpu.memory_space<vmem>> -> memref<1x64xi32, #tpu.memory_space<vmem>>
      %dma_start3A_60 = tpu.memref_squeeze %dma_start3A_59 : memref<1x64xi32, #tpu.memory_space<vmem>> -> memref<64xi32, #tpu.memory_space<vmem>>
      %dma_start3A_61 = arith.constant 0 : i32
      %dma_start3A_62 = arith.constant 0 : i32
      %dma_start3A_63 = tpu.memref_slice %arg2[%dma_start3A_61, %dma_start3A_62] : memref<10240x128xf32, #tpu.memory_space<hbm>> -> memref<10240x128xf32, #tpu.memory_space<hbm>>
      tpu.enqueue_indirect_dma source(%dma_start3A_63 : memref<10240x128xf32, #tpu.memory_space<hbm>>) target(%dma_start3A_57 : memref<64x128xf32, #tpu.memory_space<vmem>>) offsets(%dma_start3A_60 : memref<64xi32, #tpu.memory_space<vmem>>) semaphore(%arg14 : memref<!tpu.dma_semaphore, #tpu.memory_space<semaphore_mem>>)
      %dma_start3A_64 = arith.constant 64 : i32
      %dma_start3A_65 = arith.constant 0 : i32
      %dma_start3A_66 = tpu.memref_slice %arg9[%dma_start3A_64, %dma_start3A_65] : memref<128x128xf32, #tpu.memory_space<vmem>> -> memref<64x128xf32, #tpu.memory_space<vmem>>
      %dma_start3A_67 = arith.constant 64 : i32
      %dma_start3A_68 = tpu.memref_slice %arg6[%add3A_54, %dma_start3A_67] : memref<158x128xi32, #tpu.memory_space<vmem>> -> memref<1x64xi32, #tpu.memory_space<vmem>>
      %dma_start3A_69 = tpu.memref_squeeze %dma_start3A_68 : memref<1x64xi32, #tpu.memory_space<vmem>> -> memref<64xi32, #tpu.memory_space<vmem>>
      %dma_start3A_70 = arith.constant 0 : i32
      %dma_start3A_71 = arith.constant 0 : i32
      %dma_start3A_72 = tpu.memref_slice %arg2[%dma_start3A_70, %dma_start3A_71] : memref<10240x128xf32, #tpu.memory_space<hbm>> -> memref<10240x128xf32, #tpu.memory_space<hbm>>
      tpu.enqueue_indirect_dma source(%dma_start3A_72 : memref<10240x128xf32, #tpu.memory_space<hbm>>) target(%dma_start3A_66 : memref<64x128xf32, #tpu.memory_space<vmem>>) offsets(%dma_start3A_69 : memref<64xi32, #tpu.memory_space<vmem>>) semaphore(%arg15 : memref<!tpu.dma_semaphore, #tpu.memory_space<semaphore_mem>>)
      %dma_wait3A = arith.constant 0 : i32
      %dma_wait3A_73 = arith.constant 0 : i32
      %dma_wait3A_74 = tpu.memref_slice %arg8[%dma_wait3A, %dma_wait3A_73] : memref<128x128xf32, #tpu.memory_space<vmem>> -> memref<64x128xf32, #tpu.memory_space<vmem>>
      %dma_wait3A_75 = arith.constant 0 : i32
      %dma_wait3A_76 = tpu.memref_slice %arg6[%mul3A_53, %dma_wait3A_75] : memref<158x128xi32, #tpu.memory_space<vmem>> -> memref<1x64xi32, #tpu.memory_space<vmem>>
      %dma_wait3A_77 = tpu.memref_squeeze %dma_wait3A_76 : memref<1x64xi32, #tpu.memory_space<vmem>> -> memref<64xi32, #tpu.memory_space<vmem>>
      %dma_wait3A_78 = arith.constant 0 : i32
      %dma_wait3A_79 = arith.constant 0 : i32
      %dma_wait3A_80 = tpu.memref_slice %arg2[%dma_wait3A_78, %dma_wait3A_79] : memref<10240x128xf32, #tpu.memory_space<hbm>> -> memref<10240x128xf32, #tpu.memory_space<hbm>>
      tpu.wait_indirect_dma semaphore(%arg12 : memref<!tpu.dma_semaphore, #tpu.memory_space<semaphore_mem>>) src(%dma_wait3A_80 : memref<10240x128xf32, #tpu.memory_space<hbm>>) dst(%dma_wait3A_74 : memref<64x128xf32, #tpu.memory_space<vmem>>)
      %dma_wait3A_81 = arith.constant 64 : i32
      %dma_wait3A_82 = arith.constant 0 : i32
      %dma_wait3A_83 = tpu.memref_slice %arg8[%dma_wait3A_81, %dma_wait3A_82] : memref<128x128xf32, #tpu.memory_space<vmem>> -> memref<64x128xf32, #tpu.memory_space<vmem>>
      %dma_wait3A_84 = arith.constant 64 : i32
      %dma_wait3A_85 = tpu.memref_slice %arg6[%mul3A_53, %dma_wait3A_84] : memref<158x128xi32, #tpu.memory_space<vmem>> -> memref<1x64xi32, #tpu.memory_space<vmem>>
      %dma_wait3A_86 = tpu.memref_squeeze %dma_wait3A_85 : memref<1x64xi32, #tpu.memory_space<vmem>> -> memref<64xi32, #tpu.memory_space<vmem>>
      %dma_wait3A_87 = arith.constant 0 : i32
      %dma_wait3A_88 = arith.constant 0 : i32
      %dma_wait3A_89 = tpu.memref_slice %arg2[%dma_wait3A_87, %dma_wait3A_88] : memref<10240x128xf32, #tpu.memory_space<hbm>> -> memref<10240x128xf32, #tpu.memory_space<hbm>>
      tpu.wait_indirect_dma semaphore(%arg13 : memref<!tpu.dma_semaphore, #tpu.memory_space<semaphore_mem>>) src(%dma_wait3A_89 : memref<10240x128xf32, #tpu.memory_space<hbm>>) dst(%dma_wait3A_83 : memref<64x128xf32, #tpu.memory_space<vmem>>)
      "tpu.region"() ({
        %run_scoped3A = tpu.sem_alloc : memref<!tpu.dma_semaphore, #tpu.memory_space<semaphore_mem>>
        %dma_start3A_112 = arith.constant 0 : i32
        %dma_start3A_113 = tpu.memref_slice %arg7[%mul3A_53, %dma_start3A_112] : memref<158x128xi32, #tpu.memory_space<vmem>> -> memref<1x128xi32, #tpu.memory_space<vmem>>
        %dma_start3A_114 = tpu.memref_squeeze %dma_start3A_113 : memref<1x128xi32, #tpu.memory_space<vmem>> -> memref<128xi32, #tpu.memory_space<vmem>>
        %dma_start3A_115 = arith.constant 0 : i32
        %dma_start3A_116 = arith.constant 0 : i32
        %dma_start3A_117 = tpu.memref_slice %arg11[%dma_start3A_115, %dma_start3A_116] : memref<5128x128xf32, #tpu.memory_space<vmem_shared>> -> memref<5128x128xf32, #tpu.memory_space<vmem_shared>>
        tpu.enqueue_indirect_dma source(%arg8 : memref<128x128xf32, #tpu.memory_space<vmem>>) target(%dma_start3A_117 : memref<5128x128xf32, #tpu.memory_space<vmem_shared>>) offsets(%dma_start3A_114 : memref<128xi32, #tpu.memory_space<vmem>>) semaphore(%run_scoped3A : memref<!tpu.dma_semaphore, #tpu.memory_space<semaphore_mem>>) {add = true}
        %dma_wait3A_118 = arith.constant 0 : i32
        %dma_wait3A_119 = tpu.memref_slice %arg7[%mul3A_53, %dma_wait3A_118] : memref<158x128xi32, #tpu.memory_space<vmem>> -> memref<1x128xi32, #tpu.memory_space<vmem>>
        %dma_wait3A_120 = tpu.memref_squeeze %dma_wait3A_119 : memref<1x128xi32, #tpu.memory_space<vmem>> -> memref<128xi32, #tpu.memory_space<vmem>>
        %dma_wait3A_121 = arith.constant 0 : i32
        %dma_wait3A_122 = arith.constant 0 : i32
        %dma_wait3A_123 = tpu.memref_slice %arg11[%dma_wait3A_121, %dma_wait3A_122] : memref<5128x128xf32, #tpu.memory_space<vmem_shared>> -> memref<5128x128xf32, #tpu.memory_space<vmem_shared>>
        tpu.wait_indirect_dma semaphore(%run_scoped3A : memref<!tpu.dma_semaphore, #tpu.memory_space<semaphore_mem>>) src(%arg8 : memref<128x128xf32, #tpu.memory_space<vmem>>) dst(%dma_wait3A_123 : memref<5128x128xf32, #tpu.memory_space<vmem_shared>>)
        tpu.yield
      }) : () -> ()
      %dma_wait3A_90 = arith.constant 0 : i32
      %dma_wait3A_91 = arith.constant 0 : i32
      %dma_wait3A_92 = tpu.memref_slice %arg9[%dma_wait3A_90, %dma_wait3A_91] : memref<128x128xf32, #tpu.memory_space<vmem>> -> memref<64x128xf32, #tpu.memory_space<vmem>>
      %dma_wait3A_93 = arith.constant 0 : i32
      %dma_wait3A_94 = tpu.memref_slice %arg6[%add3A_54, %dma_wait3A_93] : memref<158x128xi32, #tpu.memory_space<vmem>> -> memref<1x64xi32, #tpu.memory_space<vmem>>
      %dma_wait3A_95 = tpu.memref_squeeze %dma_wait3A_94 : memref<1x64xi32, #tpu.memory_space<vmem>> -> memref<64xi32, #tpu.memory_space<vmem>>
      %dma_wait3A_96 = arith.constant 0 : i32
      %dma_wait3A_97 = arith.constant 0 : i32
      %dma_wait3A_98 = tpu.memref_slice %arg2[%dma_wait3A_96, %dma_wait3A_97] : memref<10240x128xf32, #tpu.memory_space<hbm>> -> memref<10240x128xf32, #tpu.memory_space<hbm>>
      tpu.wait_indirect_dma semaphore(%arg14 : memref<!tpu.dma_semaphore, #tpu.memory_space<semaphore_mem>>) src(%dma_wait3A_98 : memref<10240x128xf32, #tpu.memory_space<hbm>>) dst(%dma_wait3A_92 : memref<64x128xf32, #tpu.memory_space<vmem>>)
      %dma_wait3A_99 = arith.constant 64 : i32
      %dma_wait3A_100 = arith.constant 0 : i32
      %dma_wait3A_101 = tpu.memref_slice %arg9[%dma_wait3A_99, %dma_wait3A_100] : memref<128x128xf32, #tpu.memory_space<vmem>> -> memref<64x128xf32, #tpu.memory_space<vmem>>
      %dma_wait3A_102 = arith.constant 64 : i32
      %dma_wait3A_103 = tpu.memref_slice %arg6[%add3A_54, %dma_wait3A_102] : memref<158x128xi32, #tpu.memory_space<vmem>> -> memref<1x64xi32, #tpu.memory_space<vmem>>
      %dma_wait3A_104 = tpu.memref_squeeze %dma_wait3A_103 : memref<1x64xi32, #tpu.memory_space<vmem>> -> memref<64xi32, #tpu.memory_space<vmem>>
      %dma_wait3A_105 = arith.constant 0 : i32
      %dma_wait3A_106 = arith.constant 0 : i32
      %dma_wait3A_107 = tpu.memref_slice %arg2[%dma_wait3A_105, %dma_wait3A_106] : memref<10240x128xf32, #tpu.memory_space<hbm>> -> memref<10240x128xf32, #tpu.memory_space<hbm>>
      tpu.wait_indirect_dma semaphore(%arg15 : memref<!tpu.dma_semaphore, #tpu.memory_space<semaphore_mem>>) src(%dma_wait3A_107 : memref<10240x128xf32, #tpu.memory_space<hbm>>) dst(%dma_wait3A_101 : memref<64x128xf32, #tpu.memory_space<vmem>>)
      %add3A_108 = arith.constant 1 : i32
      %add3A_109 = arith.addi %scan3A_51, %add3A_108 : i32
      %lt3A = arith.constant 79 : i32
      %lt3A_110 = arith.cmpi slt, %add3A_109, %lt3A : i32
      %convert_element_type3A = arith.extui %lt3A_110 : i1 to i32
      %cond3A = arith.constant 0 : i32
      %cond3A_111 = arith.cmpi ne, %convert_element_type3A, %cond3A : i32
      scf.if %cond3A_111 {
        %add3A_112 = arith.constant 2 : i32
        %add3A_113 = arith.addi %mul3A_53, %add3A_112 : i32
        %dma_start3A_114 = arith.constant 0 : i32
        %dma_start3A_115 = arith.constant 0 : i32
        %dma_start3A_116 = tpu.memref_slice %arg8[%dma_start3A_114, %dma_start3A_115] : memref<128x128xf32, #tpu.memory_space<vmem>> -> memref<64x128xf32, #tpu.memory_space<vmem>>
        %dma_start3A_117 = arith.constant 0 : i32
        %dma_start3A_118 = tpu.memref_slice %arg6[%add3A_113, %dma_start3A_117] : memref<158x128xi32, #tpu.memory_space<vmem>> -> memref<1x64xi32, #tpu.memory_space<vmem>>
        %dma_start3A_119 = tpu.memref_squeeze %dma_start3A_118 : memref<1x64xi32, #tpu.memory_space<vmem>> -> memref<64xi32, #tpu.memory_space<vmem>>
        %dma_start3A_120 = arith.constant 0 : i32
        %dma_start3A_121 = arith.constant 0 : i32
        %dma_start3A_122 = tpu.memref_slice %arg2[%dma_start3A_120, %dma_start3A_121] : memref<10240x128xf32, #tpu.memory_space<hbm>> -> memref<10240x128xf32, #tpu.memory_space<hbm>>
        tpu.enqueue_indirect_dma source(%dma_start3A_122 : memref<10240x128xf32, #tpu.memory_space<hbm>>) target(%dma_start3A_116 : memref<64x128xf32, #tpu.memory_space<vmem>>) offsets(%dma_start3A_119 : memref<64xi32, #tpu.memory_space<vmem>>) semaphore(%arg12 : memref<!tpu.dma_semaphore, #tpu.memory_space<semaphore_mem>>)
        %dma_start3A_123 = arith.constant 64 : i32
        %dma_start3A_124 = arith.constant 0 : i32
        %dma_start3A_125 = tpu.memref_slice %arg8[%dma_start3A_123, %dma_start3A_124] : memref<128x128xf32, #tpu.memory_space<vmem>> -> memref<64x128xf32, #tpu.memory_space<vmem>>
        %dma_start3A_126 = arith.constant 64 : i32
        %dma_start3A_127 = tpu.memref_slice %arg6[%add3A_113, %dma_start3A_126] : memref<158x128xi32, #tpu.memory_space<vmem>> -> memref<1x64xi32, #tpu.memory_space<vmem>>
        %dma_start3A_128 = tpu.memref_squeeze %dma_start3A_127 : memref<1x64xi32, #tpu.memory_space<vmem>> -> memref<64xi32, #tpu.memory_space<vmem>>
        %dma_start3A_129 = arith.constant 0 : i32
        %dma_start3A_130 = arith.constant 0 : i32
        %dma_start3A_131 = tpu.memref_slice %arg2[%dma_start3A_129, %dma_start3A_130] : memref<10240x128xf32, #tpu.memory_space<hbm>> -> memref<10240x128xf32, #tpu.memory_space<hbm>>
        tpu.enqueue_indirect_dma source(%dma_start3A_131 : memref<10240x128xf32, #tpu.memory_space<hbm>>) target(%dma_start3A_125 : memref<64x128xf32, #tpu.memory_space<vmem>>) offsets(%dma_start3A_128 : memref<64xi32, #tpu.memory_space<vmem>>) semaphore(%arg13 : memref<!tpu.dma_semaphore, #tpu.memory_space<semaphore_mem>>)
      } else {
      }
      "tpu.region"() ({
        %run_scoped3A = tpu.sem_alloc : memref<!tpu.dma_semaphore, #tpu.memory_space<semaphore_mem>>
        %dma_start3A_112 = arith.constant 0 : i32
        %dma_start3A_113 = tpu.memref_slice %arg7[%add3A_54, %dma_start3A_112] : memref<158x128xi32, #tpu.memory_space<vmem>> -> memref<1x128xi32, #tpu.memory_space<vmem>>
        %dma_start3A_114 = tpu.memref_squeeze %dma_start3A_113 : memref<1x128xi32, #tpu.memory_space<vmem>> -> memref<128xi32, #tpu.memory_space<vmem>>
        %dma_start3A_115 = arith.constant 0 : i32
        %dma_start3A_116 = arith.constant 0 : i32
        %dma_start3A_117 = tpu.memref_slice %arg11[%dma_start3A_115, %dma_start3A_116] : memref<5128x128xf32, #tpu.memory_space<vmem_shared>> -> memref<5128x128xf32, #tpu.memory_space<vmem_shared>>
        tpu.enqueue_indirect_dma source(%arg9 : memref<128x128xf32, #tpu.memory_space<vmem>>) target(%dma_start3A_117 : memref<5128x128xf32, #tpu.memory_space<vmem_shared>>) offsets(%dma_start3A_114 : memref<128xi32, #tpu.memory_space<vmem>>) semaphore(%run_scoped3A : memref<!tpu.dma_semaphore, #tpu.memory_space<semaphore_mem>>) {add = true}
        %dma_wait3A_118 = arith.constant 0 : i32
        %dma_wait3A_119 = tpu.memref_slice %arg7[%add3A_54, %dma_wait3A_118] : memref<158x128xi32, #tpu.memory_space<vmem>> -> memref<1x128xi32, #tpu.memory_space<vmem>>
        %dma_wait3A_120 = tpu.memref_squeeze %dma_wait3A_119 : memref<1x128xi32, #tpu.memory_space<vmem>> -> memref<128xi32, #tpu.memory_space<vmem>>
        %dma_wait3A_121 = arith.constant 0 : i32
        %dma_wait3A_122 = arith.constant 0 : i32
        %dma_wait3A_123 = tpu.memref_slice %arg11[%dma_wait3A_121, %dma_wait3A_122] : memref<5128x128xf32, #tpu.memory_space<vmem_shared>> -> memref<5128x128xf32, #tpu.memory_space<vmem_shared>>
        tpu.wait_indirect_dma semaphore(%run_scoped3A : memref<!tpu.dma_semaphore, #tpu.memory_space<semaphore_mem>>) src(%arg9 : memref<128x128xf32, #tpu.memory_space<vmem>>) dst(%dma_wait3A_123 : memref<5128x128xf32, #tpu.memory_space<vmem_shared>>)
        tpu.yield
      }) : () -> ()
    }
    %scan3A_43 = arith.constant 79 : i32
    %barrier3A_44 = arith.constant 0 : index
    tpu.barrier barrier_id(%barrier3A_44)
    %scan3A_45 = arith.constant 0 : i32
    %scan3A_46 = arith.constant 0 : i32
    %scan3A_47 = arith.constant 5 : i32
    %scan3A_48 = arith.addi %scan3A_46, %scan3A_47 : i32
    %scan3A_49 = arith.constant 1 : i32
    scf.for %scan3A_51 = %scan3A_46 to %scan3A_48 step %scan3A_49  : i32 {
      %mul3A_52 = arith.constant 320 : i32
      %mul3A_53 = arith.muli %arg1, %mul3A_52 : i32
      %mul3A_54 = arith.constant 64 : i32
      %mul3A_55 = arith.muli %scan3A_51, %mul3A_54 : i32
      %add3A = arith.addi %mul3A_53, %mul3A_55 : i32
      "tpu.region"() ({
        %run_scoped3A = tpu.sem_alloc : memref<!tpu.dma_semaphore, #tpu.memory_space<semaphore_mem>>
        %dma_start3A_57 = arith.constant 0 : i32
        %dma_start3A_58 = tpu.memref_slice %arg11[%add3A, %dma_start3A_57] : memref<5128x128xf32, #tpu.memory_space<vmem_shared>> -> memref<64x128xf32, #tpu.memory_space<vmem_shared>>
        %dma_start3A_59 = arith.constant 0 : i32
        %dma_start3A_60 = tpu.memref_slice %arg11[%add3A, %dma_start3A_59] : memref<5128x128xf32, #tpu.memory_space<vmem_shared>> -> memref<64x128xf32, #tpu.memory_space<vmem_shared>>
        tpu.enqueue_dma source(%dma_start3A_60 : memref<64x128xf32, #tpu.memory_space<vmem_shared>>) target(%arg10 : memref<64x128xf32, #tpu.memory_space<vmem>>) target_semaphore(%run_scoped3A : memref<!tpu.dma_semaphore, #tpu.memory_space<semaphore_mem>>)
        %dma_wait3A = arith.constant 0 : i32
        %dma_wait3A_61 = tpu.memref_slice %arg11[%add3A, %dma_wait3A] : memref<5128x128xf32, #tpu.memory_space<vmem_shared>> -> memref<64x128xf32, #tpu.memory_space<vmem_shared>>
        %dma_wait3A_62 = arith.constant 0 : i32
        %dma_wait3A_63 = tpu.memref_slice %arg11[%add3A, %dma_wait3A_62] : memref<5128x128xf32, #tpu.memory_space<vmem_shared>> -> memref<64x128xf32, #tpu.memory_space<vmem_shared>>
        tpu.wait_dma2 semaphore(%run_scoped3A : memref<!tpu.dma_semaphore, #tpu.memory_space<semaphore_mem>>) src(%dma_wait3A_63 : memref<64x128xf32, #tpu.memory_space<vmem_shared>>) dst(%arg10 : memref<64x128xf32, #tpu.memory_space<vmem>>)
        tpu.yield
      }) : () -> ()
      %add3A_56 = arith.addi %mul3A_1, %add3A : i32
      "tpu.region"() ({
        %run_scoped3A = tpu.sem_alloc : memref<!tpu.dma_semaphore, #tpu.memory_space<semaphore_mem>>
        %dma_start3A_57 = arith.constant 0 : i32
        %dma_start3A_58 = tpu.memref_slice %arg5[%add3A_56, %dma_start3A_57] : memref<10240x128xf32, #tpu.memory_space<hbm>> -> memref<64x128xf32, #tpu.memory_space<hbm>>
        %dma_start3A_59 = arith.constant 0 : i32
        %dma_start3A_60 = tpu.memref_slice %arg5[%add3A_56, %dma_start3A_59] : memref<10240x128xf32, #tpu.memory_space<hbm>> -> memref<64x128xf32, #tpu.memory_space<hbm>>
        tpu.enqueue_dma source(%arg10 : memref<64x128xf32, #tpu.memory_space<vmem>>) target(%dma_start3A_60 : memref<64x128xf32, #tpu.memory_space<hbm>>) target_semaphore(%run_scoped3A : memref<!tpu.dma_semaphore, #tpu.memory_space<semaphore_mem>>)
        %dma_wait3A = arith.constant 0 : i32
        %dma_wait3A_61 = tpu.memref_slice %arg5[%add3A_56, %dma_wait3A] : memref<10240x128xf32, #tpu.memory_space<hbm>> -> memref<64x128xf32, #tpu.memory_space<hbm>>
        %dma_wait3A_62 = arith.constant 0 : i32
        %dma_wait3A_63 = tpu.memref_slice %arg5[%add3A_56, %dma_wait3A_62] : memref<10240x128xf32, #tpu.memory_space<hbm>> -> memref<64x128xf32, #tpu.memory_space<hbm>>
        tpu.wait_dma2 semaphore(%run_scoped3A : memref<!tpu.dma_semaphore, #tpu.memory_space<semaphore_mem>>) src(%arg10 : memref<64x128xf32, #tpu.memory_space<vmem>>) dst(%dma_wait3A_63 : memref<64x128xf32, #tpu.memory_space<hbm>>)
        tpu.yield
      }) : () -> ()
    }
    %scan3A_50 = arith.constant 5 : i32
    return
  }
}

module attributes {stable_mosaic.version = 14 : i64} {
  func.func @_lin1_body(%arg0: i32, %arg1: memref<1024x128xf32, #tpu.memory_space<vmem>>, %arg2: memref<128x128xf32, #tpu.memory_space<vmem>>, %arg3: memref<1024x2xf32, #tpu.memory_space<vmem>>, %arg4: memref<1024x128xf32, #tpu.memory_space<vmem>>) attributes {dimension_semantics = [#tpu.dimension_semantics<arbitrary>], iteration_bounds = array<i64: 10>, scalar_prefetch = 0 : i64, scratch_operands = 0 : i64, tpu.core_type = #tpu.core_type<tc>, window_params = [{transform_indices = @transform_0, window_bounds = array<i64: 1024, 128>}, {pipeline_mode = #tpu.pipeline_mode<synchronous>, transform_indices = @transform_1, window_bounds = array<i64: 128, 128>}, {transform_indices = @transform_2, window_bounds = array<i64: 1024, 2>}, {transform_indices = @transform_3, window_bounds = array<i64: 1024, 128>}]} {
    %get3A = arith.constant 0 : index
    %get3A_0 = arith.constant 0 : index
    %get3A_1 = vector.load %arg3[%get3A, %get3A_0] : memref<1024x2xf32, #tpu.memory_space<vmem>>, vector<1024x2xf32>
    %slice3A = vector.extract_strided_slice %get3A_1 {offsets = [0, 0], sizes = [1024, 1], strides = [1, 1]} : vector<1024x2xf32> to vector<1024x1xf32>
    %add3A = arith.constant 1.000000e+00 : f32
    %add3A_2 = vector.broadcast %add3A : f32 to vector<1024x1xf32>
    %add3A_3 = arith.addf %slice3A, %add3A_2 : vector<1024x1xf32>
    %mul3A = arith.constant 1024 : i32
    %mul3A_4 = arith.muli %arg0, %mul3A : i32
    %iota3A = tpu.iota {dimensions = array<i32: 0>} : vector<1024x1xi32>
    %add3A_5 = vector.broadcast %mul3A_4 : i32 to vector<1024x1xi32>
    %add3A_6 = arith.addi %add3A_5, %iota3A : vector<1024x1xi32>
    %lt3A = arith.constant 10000 : i32
    %lt3A_7 = vector.broadcast %lt3A : i32 to vector<1024x1xi32>
    %lt3A_8 = arith.cmpi slt, %add3A_6, %lt3A_7 : vector<1024x1xi32>
    %rsqrt3A = math.rsqrt %add3A_3 : vector<1024x1xf32>
    %jit3A = arith.constant 0.000000e+00 : f32
    %broadcast_in_dim3A = vector.broadcast %jit3A : f32 to vector<1024x1xf32>
    %select_n3A = arith.select %lt3A_8, %rsqrt3A, %broadcast_in_dim3A : vector<1024x1xi1>, vector<1024x1xf32>
    %get3A_9 = arith.constant 0 : index
    %get3A_10 = arith.constant 0 : index
    %get3A_11 = vector.load %arg1[%get3A_9, %get3A_10] : memref<1024x128xf32, #tpu.memory_space<vmem>>, vector<1024x128xf32>
    %get3A_12 = arith.constant 0 : index
    %get3A_13 = arith.constant 0 : index
    %get3A_14 = vector.load %arg2[%get3A_12, %get3A_13] : memref<128x128xf32, #tpu.memory_space<vmem>>, vector<128x128xf32>
    %dot_general3A = arith.constant dense<0.000000e+00> : vector<1024x128xf32>
    %dot_general3A_15 = tpu.matmul %get3A_11, %get3A_14, %dot_general3A {dimension_numbers = #tpu.dot_dimension_numbers<[1], [0], [0], [1], [0, 0, 1, 1], [], []>, transpose_lhs_hint = false} : vector<1024x128xf32>, vector<128x128xf32>, vector<1024x128xf32> -> vector<1024x128xf32>
    %mul3A_16 = vector.broadcast %select_n3A : vector<1024x1xf32> to vector<1024x128xf32>
    %mul3A_17 = arith.mulf %dot_general3A_15, %mul3A_16 : vector<1024x128xf32>
    %swap3A = arith.constant 0 : index
    %swap3A_18 = arith.constant 0 : index
    %swap3A_19 = vector.load %arg4[%swap3A, %swap3A_18] : memref<1024x128xf32, #tpu.memory_space<vmem>>, vector<1024x128xf32>
    tpu.vector_store %arg4[%swap3A, %swap3A_18], %mul3A_17 {strides = array<i32>} : memref<1024x128xf32, #tpu.memory_space<vmem>>, vector<1024x128xf32>,
    return
  }
  func.func @transform_0(%arg0: i32) -> (i32, i32) {
    %c0_i32 = arith.constant 0 : i32
    %c0_i32_0 = arith.constant 0 : i32
    return %arg0, %c0_i32 : i32, i32
  }
  func.func @transform_1(%arg0: i32) -> (i32, i32) {
    %c0_i32 = arith.constant 0 : i32
    %c0_i32_0 = arith.constant 0 : i32
    %c0_i32_1 = arith.constant 0 : i32
    return %c0_i32, %c0_i32_0 : i32, i32
  }
  func.func @transform_2(%arg0: i32) -> (i32, i32) {
    %c0_i32 = arith.constant 0 : i32
    %c0_i32_0 = arith.constant 0 : i32
    return %arg0, %c0_i32 : i32, i32
  }
  func.func @transform_3(%arg0: i32) -> (i32, i32) {
    %c0_i32 = arith.constant 0 : i32
    %c0_i32_0 = arith.constant 0 : i32
    return %arg0, %c0_i32 : i32, i32
  }
}

module attributes {stable_mosaic.version = 14 : i64} {
  func.func @_mid_body(%arg0: i32, %arg1: memref<1024x128xf32, #tpu.memory_space<vmem>>, %arg2: memref<1024x128xf32, #tpu.memory_space<vmem>>, %arg3: memref<1024x2xf32, #tpu.memory_space<vmem>>, %arg4: memref<1x128xf32, #tpu.memory_space<vmem>>, %arg5: memref<1024x128xf32, #tpu.memory_space<vmem>>) attributes {dimension_semantics = [#tpu.dimension_semantics<arbitrary>], iteration_bounds = array<i64: 10>, scalar_prefetch = 0 : i64, scratch_operands = 0 : i64, tpu.core_type = #tpu.core_type<tc>, window_params = [{transform_indices = @transform_0, window_bounds = array<i64: 1024, 128>}, {transform_indices = @transform_1, window_bounds = array<i64: 1024, 128>}, {transform_indices = @transform_2, window_bounds = array<i64: 1024, 2>}, {pipeline_mode = #tpu.pipeline_mode<synchronous>, transform_indices = @transform_3, window_bounds = array<i64: 1, 128>}, {transform_indices = @transform_4, window_bounds = array<i64: 1024, 128>}]} {
    %get3A = arith.constant 0 : index
    %get3A_0 = arith.constant 0 : index
    %get3A_1 = vector.load %arg3[%get3A, %get3A_0] : memref<1024x2xf32, #tpu.memory_space<vmem>>, vector<1024x2xf32>
    %slice3A = vector.extract_strided_slice %get3A_1 {offsets = [0, 0], sizes = [1024, 1], strides = [1, 1]} : vector<1024x2xf32> to vector<1024x1xf32>
    %add3A = arith.constant 1.000000e+00 : f32
    %add3A_2 = vector.broadcast %add3A : f32 to vector<1024x1xf32>
    %add3A_3 = arith.addf %slice3A, %add3A_2 : vector<1024x1xf32>
    %mul3A = arith.constant 1024 : i32
    %mul3A_4 = arith.muli %arg0, %mul3A : i32
    %iota3A = tpu.iota {dimensions = array<i32: 0>} : vector<1024x1xi32>
    %add3A_5 = vector.broadcast %mul3A_4 : i32 to vector<1024x1xi32>
    %add3A_6 = arith.addi %add3A_5, %iota3A : vector<1024x1xi32>
    %lt3A = arith.constant 10000 : i32
    %lt3A_7 = vector.broadcast %lt3A : i32 to vector<1024x1xi32>
    %lt3A_8 = arith.cmpi slt, %add3A_6, %lt3A_7 : vector<1024x1xi32>
    %rsqrt3A = math.rsqrt %add3A_3 : vector<1024x1xf32>
    %jit3A = arith.constant 0.000000e+00 : f32
    %broadcast_in_dim3A = vector.broadcast %jit3A : f32 to vector<1024x1xf32>
    %select_n3A = arith.select %lt3A_8, %rsqrt3A, %broadcast_in_dim3A : vector<1024x1xi1>, vector<1024x1xf32>
    %get3A_9 = arith.constant 0 : index
    %get3A_10 = arith.constant 0 : index
    %get3A_11 = vector.load %arg1[%get3A_9, %get3A_10] : memref<1024x128xf32, #tpu.memory_space<vmem>>, vector<1024x128xf32>
    %get3A_12 = arith.constant 0 : index
    %get3A_13 = arith.constant 0 : index
    %get3A_14 = vector.load %arg2[%get3A_12, %get3A_13] : memref<1024x128xf32, #tpu.memory_space<vmem>>, vector<1024x128xf32>
    %add3A_15 = arith.addf %get3A_11, %get3A_14 : vector<1024x128xf32>
    %mul3A_16 = vector.broadcast %select_n3A : vector<1024x1xf32> to vector<1024x128xf32>
    %mul3A_17 = arith.mulf %mul3A_16, %add3A_15 : vector<1024x128xf32>
    %get3A_18 = arith.constant 0 : index
    %get3A_19 = arith.constant 0 : index
    %get3A_20 = vector.load %arg4[%get3A_18, %get3A_19] : memref<1x128xf32, #tpu.memory_space<vmem>>, vector<1x128xf32>
    %add3A_21 = vector.broadcast %get3A_20 : vector<1x128xf32> to vector<1024x128xf32>
    %add3A_22 = arith.addf %mul3A_17, %add3A_21 : vector<1024x128xf32>
    %max3A = arith.constant 0.000000e+00 : f32
    %max3A_23 = vector.broadcast %max3A : f32 to vector<1024x128xf32>
    %max3A_24 = arith.maximumf %add3A_22, %max3A_23 : vector<1024x128xf32>
    %mul3A_25 = vector.broadcast %select_n3A : vector<1024x1xf32> to vector<1024x128xf32>
    %mul3A_26 = arith.mulf %mul3A_25, %max3A_24 : vector<1024x128xf32>
    %swap3A = arith.constant 0 : index
    %swap3A_27 = arith.constant 0 : index
    %swap3A_28 = vector.load %arg5[%swap3A, %swap3A_27] : memref<1024x128xf32, #tpu.memory_space<vmem>>, vector<1024x128xf32>
    tpu.vector_store %arg5[%swap3A, %swap3A_27], %mul3A_26 {strides = array<i32>} : memref<1024x128xf32, #tpu.memory_space<vmem>>, vector<1024x128xf32>,
    return
  }
  func.func @transform_0(%arg0: i32) -> (i32, i32) {
    %c0_i32 = arith.constant 0 : i32
    %c0_i32_0 = arith.constant 0 : i32
    return %arg0, %c0_i32 : i32, i32
  }
  func.func @transform_1(%arg0: i32) -> (i32, i32) {
    %c0_i32 = arith.constant 0 : i32
    %c0_i32_0 = arith.constant 0 : i32
    return %arg0, %c0_i32 : i32, i32
  }
  func.func @transform_2(%arg0: i32) -> (i32, i32) {
    %c0_i32 = arith.constant 0 : i32
    %c0_i32_0 = arith.constant 0 : i32
    return %arg0, %c0_i32 : i32, i32
  }
  func.func @transform_3(%arg0: i32) -> (i32, i32) {
    %c0_i32 = arith.constant 0 : i32
    %c0_i32_0 = arith.constant 0 : i32
    %c0_i32_1 = arith.constant 0 : i32
    return %c0_i32, %c0_i32_0 : i32, i32
  }
  func.func @transform_4(%arg0: i32) -> (i32, i32) {
    %c0_i32 = arith.constant 0 : i32
    %c0_i32_0 = arith.constant 0 : i32
    return %arg0, %c0_i32 : i32, i32
  }
}

module attributes {stable_mosaic.version = 14 : i64} {
  func.func @_out_body(%arg0: i32, %arg1: memref<2000x128xf32, #tpu.memory_space<vmem>>, %arg2: memref<2000x128xf32, #tpu.memory_space<vmem>>, %arg3: memref<2000x2xf32, #tpu.memory_space<vmem>>, %arg4: memref<128x64xf32, #tpu.memory_space<vmem>>, %arg5: memref<1x64xf32, #tpu.memory_space<vmem>>, %arg6: memref<128x64xf32, #tpu.memory_space<vmem>>, %arg7: memref<1x64xf32, #tpu.memory_space<vmem>>, %arg8: memref<2000x64xf32, #tpu.memory_space<vmem>>, %arg9: memref<2000x64xf32, #tpu.memory_space<vmem>>) attributes {dimension_semantics = [#tpu.dimension_semantics<arbitrary>], iteration_bounds = array<i64: 5>, scalar_prefetch = 0 : i64, scratch_operands = 0 : i64, tpu.core_type = #tpu.core_type<tc>, window_params = [{transform_indices = @transform_0, window_bounds = array<i64: 2000, 128>}, {transform_indices = @transform_1, window_bounds = array<i64: 2000, 128>}, {transform_indices = @transform_2, window_bounds = array<i64: 2000, 2>}, {pipeline_mode = #tpu.pipeline_mode<synchronous>, transform_indices = @transform_3, window_bounds = array<i64: 128, 64>}, {pipeline_mode = #tpu.pipeline_mode<synchronous>, transform_indices = @transform_4, window_bounds = array<i64: 1, 64>}, {pipeline_mode = #tpu.pipeline_mode<synchronous>, transform_indices = @transform_5, window_bounds = array<i64: 128, 64>}, {pipeline_mode = #tpu.pipeline_mode<synchronous>, transform_indices = @transform_6, window_bounds = array<i64: 1, 64>}, {transform_indices = @transform_7, window_bounds = array<i64: 2000, 64>}, {transform_indices = @transform_8, window_bounds = array<i64: 2000, 64>}]} {
    %get3A = arith.constant 0 : index
    %get3A_0 = arith.constant 0 : index
    %get3A_1 = vector.load %arg3[%get3A, %get3A_0] : memref<2000x2xf32, #tpu.memory_space<vmem>>, vector<2000x1xf32>
    %add3A = arith.constant 1.000000e+00 : f32
    %add3A_2 = vector.broadcast %add3A : f32 to vector<2000x1xf32>
    %add3A_3 = arith.addf %get3A_1, %add3A_2 : vector<2000x1xf32>
    %rsqrt3A = math.rsqrt %add3A_3 : vector<2000x1xf32>
    %get3A_4 = arith.constant 0 : index
    %get3A_5 = arith.constant 0 : index
    %get3A_6 = vector.load %arg1[%get3A_4, %get3A_5] : memref<2000x128xf32, #tpu.memory_space<vmem>>, vector<2000x128xf32>
    %get3A_7 = arith.constant 0 : index
    %get3A_8 = arith.constant 0 : index
    %get3A_9 = vector.load %arg2[%get3A_7, %get3A_8] : memref<2000x128xf32, #tpu.memory_space<vmem>>, vector<2000x128xf32>
    %add3A_10 = arith.addf %get3A_6, %get3A_9 : vector<2000x128xf32>
    %mul3A = vector.broadcast %rsqrt3A : vector<2000x1xf32> to vector<2000x128xf32>
    %mul3A_11 = arith.mulf %mul3A, %add3A_10 : vector<2000x128xf32>
    %get3A_12 = arith.constant 0 : index
    %get3A_13 = arith.constant 0 : index
    %get3A_14 = vector.load %arg4[%get3A_12, %get3A_13] : memref<128x64xf32, #tpu.memory_space<vmem>>, vector<128x64xf32>
    %dot_general3A = arith.constant dense<0.000000e+00> : vector<2000x64xf32>
    %dot_general3A_15 = tpu.matmul %mul3A_11, %get3A_14, %dot_general3A {dimension_numbers = #tpu.dot_dimension_numbers<[1], [0], [0], [1], [0, 0, 1, 1], [], []>, transpose_lhs_hint = false} : vector<2000x128xf32>, vector<128x64xf32>, vector<2000x64xf32> -> vector<2000x64xf32>
    %get3A_16 = arith.constant 0 : index
    %get3A_17 = arith.constant 0 : index
    %get3A_18 = vector.load %arg5[%get3A_16, %get3A_17] : memref<1x64xf32, #tpu.memory_space<vmem>>, vector<1x64xf32>
    %add3A_19 = vector.broadcast %get3A_18 : vector<1x64xf32> to vector<2000x64xf32>
    %add3A_20 = arith.addf %dot_general3A_15, %add3A_19 : vector<2000x64xf32>
    %swap3A = arith.constant 0 : index
    %swap3A_21 = arith.constant 0 : index
    %swap3A_22 = vector.load %arg8[%swap3A, %swap3A_21] : memref<2000x64xf32, #tpu.memory_space<vmem>>, vector<2000x64xf32>
    tpu.vector_store %arg8[%swap3A, %swap3A_21], %add3A_20 {strides = array<i32>} : memref<2000x64xf32, #tpu.memory_space<vmem>>, vector<2000x64xf32>,
    %get3A_23 = arith.constant 0 : index
    %get3A_24 = arith.constant 0 : index
    %get3A_25 = vector.load %arg6[%get3A_23, %get3A_24] : memref<128x64xf32, #tpu.memory_space<vmem>>, vector<128x64xf32>
    %dot_general3A_26 = arith.constant dense<0.000000e+00> : vector<2000x64xf32>
    %dot_general3A_27 = tpu.matmul %mul3A_11, %get3A_25, %dot_general3A_26 {dimension_numbers = #tpu.dot_dimension_numbers<[1], [0], [0], [1], [0, 0, 1, 1], [], []>, transpose_lhs_hint = false} : vector<2000x128xf32>, vector<128x64xf32>, vector<2000x64xf32> -> vector<2000x64xf32>
    %get3A_28 = arith.constant 0 : index
    %get3A_29 = arith.constant 0 : index
    %get3A_30 = vector.load %arg7[%get3A_28, %get3A_29] : memref<1x64xf32, #tpu.memory_space<vmem>>, vector<1x64xf32>
    %add3A_31 = vector.broadcast %get3A_30 : vector<1x64xf32> to vector<2000x64xf32>
    %add3A_32 = arith.addf %dot_general3A_27, %add3A_31 : vector<2000x64xf32>
    %swap3A_33 = arith.constant 0 : index
    %swap3A_34 = arith.constant 0 : index
    %swap3A_35 = vector.load %arg9[%swap3A_33, %swap3A_34] : memref<2000x64xf32, #tpu.memory_space<vmem>>, vector<2000x64xf32>
    tpu.vector_store %arg9[%swap3A_33, %swap3A_34], %add3A_32 {strides = array<i32>} : memref<2000x64xf32, #tpu.memory_space<vmem>>, vector<2000x64xf32>,
    return
  }
  func.func @transform_0(%arg0: i32) -> (i32, i32) {
    %c0_i32 = arith.constant 0 : i32
    %c0_i32_0 = arith.constant 0 : i32
    return %arg0, %c0_i32 : i32, i32
  }
  func.func @transform_1(%arg0: i32) -> (i32, i32) {
    %c0_i32 = arith.constant 0 : i32
    %c0_i32_0 = arith.constant 0 : i32
    return %arg0, %c0_i32 : i32, i32
  }
  func.func @transform_2(%arg0: i32) -> (i32, i32) {
    %c0_i32 = arith.constant 0 : i32
    %c0_i32_0 = arith.constant 0 : i32
    return %arg0, %c0_i32 : i32, i32
  }
  func.func @transform_3(%arg0: i32) -> (i32, i32) {
    %c0_i32 = arith.constant 0 : i32
    %c0_i32_0 = arith.constant 0 : i32
    %c0_i32_1 = arith.constant 0 : i32
    return %c0_i32, %c0_i32_0 : i32, i32
  }
  func.func @transform_4(%arg0: i32) -> (i32, i32) {
    %c0_i32 = arith.constant 0 : i32
    %c0_i32_0 = arith.constant 0 : i32
    %c0_i32_1 = arith.constant 0 : i32
    return %c0_i32, %c0_i32_0 : i32, i32
  }
  func.func @transform_5(%arg0: i32) -> (i32, i32) {
    %c0_i32 = arith.constant 0 : i32
    %c0_i32_0 = arith.constant 0 : i32
    %c0_i32_1 = arith.constant 0 : i32
    return %c0_i32, %c0_i32_0 : i32, i32
  }
  func.func @transform_6(%arg0: i32) -> (i32, i32) {
    %c0_i32 = arith.constant 0 : i32
    %c0_i32_0 = arith.constant 0 : i32
    %c0_i32_1 = arith.constant 0 : i32
    return %c0_i32, %c0_i32_0 : i32, i32
  }
  func.func @transform_7(%arg0: i32) -> (i32, i32) {
    %c0_i32 = arith.constant 0 : i32
    %c0_i32_0 = arith.constant 0 : i32
    return %arg0, %c0_i32 : i32, i32
  }
  func.func @transform_8(%arg0: i32) -> (i32, i32) {
    %c0_i32 = arith.constant 0 : i32
    %c0_i32_0 = arith.constant 0 : i32
    return %arg0, %c0_i32 : i32, i32
  }
}

</mosaic_0001>

<sc_bundles>
// kernel: kernel.11.cloned.1.call-start
scs
__scs_entry_jumppad:
0x0: {  	(pc) =	sbr.rel $0x88, $3  }
0x1: {  	(tag) =	ssettag $0x0;
	lr =	simm.s32 $0x1  }
0x2: {  	[smem:$0x3F99] =	sst lr;
	_ =	strace $0xD0000000  }
0x3: {  	_ = 	snop  }
0x4: {  	_ = 	snop  }
0x5: {  	_ = 	snop  }
0x6: {  	_ = 	snop  }
0x7: {  	_ = 	snop  }
__scs_overlays_trampoline_lowered:
0x8: {  	[smem:$0x3FA8] =	sst s0  }
0x9: {  	[smem:$0x3FA9] =	sst s1  }
0xa: {  	[smem:$0x3FAA] =	sst s2  }
0xb: {  	[smem:$0x3FAB] =	sst s3  }
0xc: {  	[smem:$0x3FAC] =	sst s4  }
0xd: {  	[smem:$0x3FAD] =	sst s5  }
0xe: {  	[smem:$0x3FAE] =	sst s6  }
0xf: {  	[smem:$0x3FAF] =	sst s7  }
0x10: {  	[smem:$0x3FB0] =	sst s8  }
0x11: {  	[smem:$0x3FB1] =	sst s9;
	s0 =	simm.s32 @!p0 $0x0  }
0x12: {  	s1 =	sld [smem:$0x3F97];
	s0 =	simm.s32 @p0 $0x1  }
0x13: {  	[smem:$0x3FB2] =	sst s0;
	s0 =	simm.s32 @!p1 $0x0  }
0x14: {  	s2 =	sld [smem:$0x3F96];
	s0 =	simm.s32 @p1 $0x1  }
0x15: {  	[smem:$0x3FB3] =	sst s0;
	s0 =	simm.s32 @!p2 $0x0  }
0x16: {  	s3 =	sld [smem:$0x3FDB];
	s0 =	simm.s32 @p2 $0x1  }
0x17: {  	s4 =	simm.s32 $0x1BF5;
	[smem:$0x3FB5] =	sst s0  }
0x18: {  	s0 =	sld [smem:$0x3F98];
	_ =	swait.ge [sflag:s4], $0x0  }
0x19: {  	s7 =	sld [smem:$0x3F99]  }
0x1a: {  	s8 =	sadd.s32 $0xFFFFE003, lr  }
0x1b: {  	s9 =	sadd.s32 $0xFFFFFEF7, lr;
	s5 =	simm.s32 $0xFFFFFFFF;
	p2 =	slt.u32 s8, $0xFFFFF086  }
0x1c: {  	p1 =	slt.u32 s9, $0xF7A;
	s5 =	simm.s32 @!p2 $0x0  }
0x1d: {  	s5 =	simm.s32 @p1 $0x1;
	p0 =	seq.s32 s7, s2  }
0x1e: {  	s7 =	smul.u32 @!p0 $0xF7A, s2;
	p2 =	seq.s32 @!p0 s5, $0x0  }
0x1f: {  	s9 =	smul.u32 $0xF7A, s1;
	s8 =	simm.s32 @!p0 $0x1BF5;
	p2 =	por !p2, p0  }
0x20: {  	[sflag:s8] =	ssyncset.s32 @!p0 $0xFFFFF086;
	s6 =	sadd.s32 @!p0 s3, s7;
	s7 =	simm.s32 @!p0 $0x108  }
0x21: {  	s3 =	sadd.s32 s3, s9;
	s6 =	sadd.s32 @!p0 $0x88, s6;
	s7 =	simm.s32 @p2 $0x1082  }
0x22: {  	[simem:s7], [sflag:s8] =	dma.local @!p0 [hbm:s6], $0xF7A  }
0x23: {  	s9 =	sor.u32 $0xD0000000, s2;
	s6 =	simm.s32 $0x108;
	_ =	swait.ge @!p0 [sflag:s8], $0x0  }
0x24: {  	s3 =	sadd.s32 $0x88, s3;
	s6 =	simm.s32 @!p1 $0x1082;
	[sflag:s4] =	ssyncset.s32 $0xFFFFF086  }
0x25: {  	[simem:s6], [sflag:s4] =	dma.local [hbm:s3], $0xF7A  }
0x26: {  	[smem:$0x3F99] =	sst s1;
	(tag) =	ssettag s2;
	_ =	strace s9  }
0x27: {  	s1 =	sld [smem:$0x3FA9]  }
0x28: {  	s2 =	sld [smem:$0x3FAA]  }
0x29: {  	s4 =	sld [smem:$0x3FAC]  }
0x2a: {  	p0 =	seq.s32 s5, $0x0;
	s5 =	sld [smem:$0x3FAD]  }
0x2b: {  	s6 =	sld [smem:$0x3FAE]  }
0x2c: {  	s7 =	sld [smem:$0x3FAF]  }
0x2d: {  	s3 =	simm.s32 $0x108;
	s8 =	sld [smem:$0x3FB0]  }
0x2e: {  	s3 =	simm.s32 @!p0 $0x1082;
	s9 =	sld [smem:$0x3FB1]  }
0x2f: {  	lr =	sadd.s32 s0, s3;
	s0 =	sld [smem:$0x3FA8]  }
0x30: {  	s3 =	sld [smem:$0x3FAB]  }
0x31: {  	[smem:$0x3FB4] =	sst s10  }
0x32: {  	s10 =	sld [smem:$0x3FB2];
	_ =	sdelay $0x3  }
0x33: {  	p0 =	seq.s32 s10, $0x1;
	s10 =	sld [smem:$0x3FB4];
	_ =	sdelay $0x3  }
0x34: {  	[smem:$0x3FB4] =	sst s10  }
0x35: {  	s10 =	sld [smem:$0x3FB3];
	_ =	sdelay $0x3  }
0x36: {  	p1 =	seq.s32 s10, $0x1;
	s10 =	sld [smem:$0x3FB4];
	_ =	sdelay $0x3  }
0x37: {  	[smem:$0x3FB4] =	sst s10  }
0x38: {  	s10 =	sld [smem:$0x3FB5]  }
0x39: {  	_ = 	snop;
	(pc) =	sbr.ind lr, $3  }
0x3a: {  	_ = 	snop  }
0x3b: {  	_ = 	snop  }
0x3c: {  	p2 =	seq.s32 s10, $0x1;
	s10 =	sld [smem:$0x3FB4]  }
0x3d: {  	_ =	shalt  }
0x3e: {  	_ =	shalt  }
0x3f: {  	_ =	shalt  }
0x40: {  	_ =	shalt  }
0x41: {  	_ =	shalt  }
0x42: {  	_ =	shalt  }
0x43: {  	_ =	shalt  }
0x44: {  	_ =	shalt  }
0x45: {  	_ =	shalt  }
0x46: {  	_ =	shalt  }
0x47: {  	_ =	shalt  }
0x48: {  	_ =	shalt  }
0x49: {  	_ =	shalt  }
0x4a: {  	_ =	shalt  }
0x4b: {  	_ =	shalt  }
0x4c: {  	_ =	shalt  }
0x4d: {  	_ =	shalt  }
0x4e: {  	_ =	shalt  }
0x4f: {  	_ =	shalt  }
0x50: {  	_ =	shalt  }
0x51: {  	_ =	shalt  }
0x52: {  	_ =	shalt  }
0x53: {  	_ =	shalt  }
0x54: {  	_ =	shalt  }
0x55: {  	_ =	shalt  }
0x56: {  	_ =	shalt  }
0x57: {  	_ =	shalt  }
0x58: {  	_ =	shalt  }
0x59: {  	_ =	shalt  }
0x5a: {  	_ =	shalt  }
0x5b: {  	_ =	shalt  }
0x5c: {  	_ =	shalt  }
0x5d: {  	_ =	shalt  }
0x5e: {  	_ =	shalt  }
0x5f: {  	_ =	shalt  }
0x60: {  	_ =	shalt  }
0x61: {  	_ =	shalt  }
0x62: {  	_ =	shalt  }
0x63: {  	_ =	shalt  }
0x64: {  	_ =	shalt  }
0x65: {  	_ =	shalt  }
0x66: {  	_ =	shalt  }
0x67: {  	_ =	shalt  }
0x68: {  	_ =	shalt  }
0x69: {  	_ =	shalt  }
0x6a: {  	_ =	shalt  }
0x6b: {  	_ =	shalt  }
0x6c: {  	_ =	shalt  }
0x6d: {  	_ =	shalt  }
0x6e: {  	_ =	shalt  }
0x6f: {  	_ =	shalt  }
0x70: {  	_ =	shalt  }
0x71: {  	_ =	shalt  }
0x72: {  	_ =	shalt  }
0x73: {  	_ =	shalt  }
0x74: {  	_ =	shalt  }
0x75: {  	_ =	shalt  }
0x76: {  	_ =	shalt  }
0x77: {  	_ =	shalt  }
0x78: {  	_ =	shalt  }
0x79: {  	_ =	shalt  }
0x7a: {  	_ =	shalt  }
0x7b: {  	_ =	shalt  }
0x7c: {  	_ =	shalt  }
0x7d: {  	_ =	shalt  }
0x7e: {  	_ =	shalt  }
0x7f: {  	_ =	shalt  }
0x80: {  	_ =	shalt  }
0x81: {  	_ =	shalt  }
0x82: {  	_ =	shalt  }
0x83: {  	_ =	shalt  }
0x84: {  	_ =	shalt  }
0x85: {  	_ =	shalt  }
0x86: {  	_ =	shalt  }
0x87: {  	_ =	shalt  }
.Lfunc_end0:
.L_simem_size_0:
called_computation.1_lowered:
.L_overlay_start_0:
0x88: {  	s2 =	sld [smem:$0x3FD9]  }
0x89: {  	s3 =	sld [smem:$0x3FFE];
	_ =	sdelay $0x1  }
0x8a: {  	s1 =	srdreg.scid  }
0x8b: {  	s0 =	sand.u32 $0x1, s1  }
0x8c: {  	s14 =	sshll.u32 s0, $0xA;
	s2 =	sadd.s32 s3, s2  }
0x8d: {  	s2 =	sadd.s32 s2, s14  }
0x8e: {  	[smem:$0x3FC0] =	sst s2  }
0x8f: {  	_ = 	snop  }
0x90: {  	s2 =	sld [smem:$0x3FD0];
	_ =	sdelay $0x2  }
0x91: {  	s15 =	simm.s32 $0xA;
	s4 =	simm.s32 $0x10  }
0x92: {  	[smem:s4], [sflag:s15] =	dma.local [hbm:s2], $0x1  }
0x93: {  	_ =	swait.eq [sflag:s15], $0x1  }
0x94: {  	[sflag:s15] =	ssyncset.done $0x0  }
0x95: {  	s16 =	sld [smem:$0x10];
	[sflag:s15] =	ssyncadd.s32 $0xFFFFFFFF  }
0x96: {  	s17 =	sld [smem:$0x11];
	(tm) =	ssettm $0x1  }
0x97: {  	s18 =	sld [smem:$0x3FFB];
	_ =	sdelay $0x3  }
0x98: {  	_ =	strace s18  }
0x99: {  	s4 =	sld [smem:$0x3FFC];
	_ =	sdelay $0x3  }
0x9a: {  	_ =	strace s4  }
0x9b: {  	s4 =	sld [smem:$0x3FFD];
	_ =	sdelay $0x3  }
0x9c: {  	_ =	strace s4  }
0x9d: {  	_ =	strace $0x8FFFFFFF  }
0x9e: {  	s19 =	sld [smem:$0x3FDB];
	_ =	sdelay $0x1  }
0x9f: {  	s5 =	simm.s32 $_scs_section_size  }
0xa0: {  	s6 =	simm.s32 $_size__tile_overlayer_lowered;
	s7 =	simm.s32 $_tile_overlayer_lowered  }
0xa1: {  	s22 =	simm.s32 $0x1BFF;
	s21 =	sshll.u32 s7, $0x1;
	s4 =	sadd.s32 s5, s19  }
0xa2: {  	s8 =	simm.s32 $0x0;
	s20 =	sshll.u32 s6, $0x1;
	s6 =	sadd.s32 s21, s4  }
0xa3: {  	[timem:s8], [sflag:s22] =	dma.local [hbm:s6], s20  }
0xa4: {  	_ =	swait.ge [sflag:s22], s20  }
0xa5: {  	s5 =	ssub.s32 $0x0, s20;
	[sflag:s22] =	ssyncset.done $0x0  }
0xa6: {  	[sflag:s22] =	ssyncadd.s32 s5;
	_ =	sdelay $0x1  }
0xa7: {  	s23 =	simm.s32 $0x1B8B  }
0xa8: {  	_ =	swait.ge [sflag:s23], $0x1  }
0xa9: {  	[sflag:s23] =	ssyncset.done $0x0  }
0xaa: {  	s25 =	simm.s32 $0x1B8E;
	s24 =	sld [smem:$0x3FFE];
	[sflag:s23] =	ssyncadd.s32 $0xFFFFFFFF  }
0xab: {  	s26 =	simm.s32 $execute0_lowered;
	[smem:$0x3FD2] =	sst s25  }
0xac: {  	s6 =	sshll.u32 s26, $0x1;
	_ =	strace $0x80000049;
	[dreg:$0x1] =	wrdreg $0xFFFFFFFF  }
0xad: {  	s28 =	simm.s32 $_size_execute0_lowered;
	s4 =	sadd.s32 s4, s6;
	[dreg:$0x0] =	wrdreg $0x0  }
0xae: {  	s6 =	sshll.u32 s28, $0x1;
	[dreg:$0x2] =	wrdreg s4  }
0xaf: {  	[dreg:$0x3] =	wrdreg s6  }
0xb0: {  	[dreg:$0x4] =	wrdreg $0xC0  }
0xb1: {  	_ =	task [dreg:s8], $0x5FFFF  }
0xb2: {  	[dreg:$0x1] =	wrdreg $0xFFFFFFFF  }
0xb3: {  	[dreg:$0x0] =	wrdreg $0x60  }
0xb4: {  	[dreg:$0x2] =	wrdreg s24  }
0xb5: {  	[dreg:$0x3] =	wrdreg s16  }
0xb6: {  	[dreg:$0x4] =	wrdreg s17  }
0xb7: {  	[dreg:$0x5] =	wrdreg $0x140000  }
0xb8: {  	[dreg:$0x6] =	wrdreg $0x9  }
0xb9: {  	_ =	task.clear_ibuf [dreg:s8], $0x7FFFF;
	_ =	strace $0x90000049  }
0xba: {  	s29 =	simm.s32 $0x9;
	_ =	strace $0x8000004B  }
0xbb: {  	_ =	swait.ge [sflag:s29], $0x1  }
0xbc: {  	[sflag:s29] =	ssyncadd.s32 $0xFFFFFFFF  }
0xbd: {  	_ =	strace $0x9000004B  }
0xbe: {  	_ =	sfence  }
0xbf: {  	s30 =	sld [smem:$0x0];
	_ =	sdelay $0x2  }
0xc0: {  	s31 =	sshll.u32 s1, $0xD;
	s1 =	sshrl.u32 s1, $0x2  }
0xc1: {  	s3 =	sand.u32 $0x4000, s31;
	s1 =	sadd.s32 s1, s30  }
0xc2: {  	s0 =	sor.u32 s3, s0;
	s1 =	sshll.u32 s1, $0x11  }
0xc3: {  	s0 =	sor.u32 s1, s0  }
0xc4: {  	s0 =	sadd.s32 $0x8F2B, s0  }
0xc5: {  	[sflag:s0] =	ssyncadd.remote.s32 $0x1  }
0xc6: {  	_ =	sfence.sel $0xFFFF  }
0xc7: {  	[dreg:$0x0] =	wrdreg $0xFFFFFFFF;
	(pc) =	sbr.abs _section_cstart, $3  }
0xc8: {  	[dreg:$0x1] =	wrdreg $0xFFFFFFFF  }
0xc9: {  	_ =	task.clear_ibuf [dreg:s8], $0x2FFFF;
	_ =	strace $0x9FFFFFFF  }
0xca: {  	(tm) =	ssettm $0x7FFFFFFF  }
0xcb: {  	_ =	shalt  }
tec
execute0_lowered:
.L_overlay_start_1:
0x0: {  	(tag) =	ssettag $0x1  }
0x1: {  	s0 =	rddreg [dreg:$0x0]  }
0x2: {  	s2 =	rddreg [dreg:$0x1]  }
0x3: {  	s5 =	rddreg [dreg:$0x2]  }
0x4: {  	s1 =	rddreg [dreg:$0x3];
	s3 =	simm.s32 $0x0;
	s4 =	srdreg.scid  }
0x5: {  	s11 =	stileid.u32;
	s28 =	simm.s32 $0x12000;
	s29 =	simm.s32 $0xE000  }
0x6: {  	s30 =	simm.s32 $0x10000;
	s31 =	simm.s32 $0x1;
	[smem:$0x7FF] =	sst s3  }
0x7: {  	s6 =	sand.u32 $0x1, s4;
	s4 =	sadd.s32 $0x2AA00, s0;
	s8 =	smul.u32 $0x28000, s11  }
0x8: {  	s0 =	sadd.s32 $0x52A00, s0;
	s10 =	smul.u32 $0xA00, s11;
	s7 =	ssub.s32 $0x2, s6  }
0x9: {  	_ =	strace $0x8000004A;
	s9 =	sshrl.u32 s7, $0x1;
	s26 =	sshrl.u32 s8, $0x2  }
0xa: {  	s2 =	sadd.s32 s2, s10;
	s8 =	smul.u32 $0x140, s11;
	s5 =	sadd.s32 s5, s10  }
0xb: {  	s7 =	ssub.s32 s7, s9;
	s9 =	smul.u32 $0x1400, s6;
	[dreg:$0x5] =	wrdreg s2  }
0xc: {  	s6 =	sadd.s32 s26, s1;
	[dreg:$0x6] =	wrdreg s5;
	s11 =	smax.u32 s7, $0x1  }
0xd: {  	s12 =	sadd.s32 $0x2000, s6;
	s13 =	sadd.s32 $0x4000, s6;
	[dreg:$0x7] =	wrdreg s11  }
0xe: {  	s14 =	sadd.s32 $0x6000, s6;
	s16 =	sadd.s32 $0x8000, s6;
	[dreg:$0x8] =	wrdreg s12  }
0xf: {  	s17 =	sadd.s32 $0x40, s8;
	s20 =	sadd.s32 $0x80, s8;
	[dreg:$0x9] =	wrdreg s13  }
0x10: {  	s23 =	sadd.s32 $0xC0, s8;
	s2 =	sadd.s32 $0x100, s8;
	[dreg:$0xa] =	wrdreg s14  }
0x11: {  	s15 =	sadd.s32 s9, s8;
	[dreg:$0xb] =	wrdreg s16;
	s18 =	sshll.u32 s17, $0x7  }
0x12: {  	s7 =	sadd.s32 s9, s17;
	s21 =	sshll.u32 s20, $0x7;
	s24 =	sshll.u32 s23, $0x7  }
0x13: {  	s25 =	sadd.s32 s9, s23;
	s26 =	sadd.s32 s9, s2;
	s2 =	sshll.u32 s2, $0x7  }
0x14: {  	s23 =	simm.s32 $0x3;
	s5 =	sshll.u32 s15, $0x4;
	s14 =	sadd.s32 s18, s1  }
0x15: {  	s19 =	sshll.u32 s7, $0x4;
	s7 =	sadd.s32 s9, s20;
	s16 =	sadd.s32 s21, s1  }
0x16: {  	s18 =	sadd.s32 s24, s1;
	s20 =	sadd.s32 s2, s1;
	s24 =	simm.s32 $0x40  }
0x17: {  	s2 =	simm.s32 $0x80;
	s13 =	sadd.s32 s0, s5;
	s15 =	sadd.s32 s0, s19  }
0x18: {  	s22 =	sshll.u32 s7, $0x4;
	s5 =	sshll.u32 s25, $0x4;
	s7 =	sshll.u32 s26, $0x4  }
0x19: {  	s25 =	simm.s32 $0xA000;
	s26 =	simm.s32 $0xC000;
	s17 =	sadd.s32 s0, s22  }
0x1a: {  	s19 =	sadd.s32 s0, s5;
	s21 =	sadd.s32 s0, s7;
	s22 =	simm.s32 $0x5  }
0x1b: {  	v1 =	vimm.f32 $0.0e+00;
	v0 =	vmov s9;
	s0 =	simm.s32 $0x2;
	s5 =	simm.s32 $0x4;
	s7 =	simm.s32 $0x0  }
.LBB2_1:
0x1c: {  	s8 =	rddreg [dreg:$0x5]  }
0x1d: {  	[tilespmem:s3], [sflag:$0x5] =	stream.linear.gather [hbm4b:s8+s3], $0x4F00, $0x38;
	[tilespmem:$0x1E040] =	vst v63  }
0x1e: {  	_ =	swait.ge [sflag:s22], $0x4F00  }
0x1f: {  	[sflag:s22] =	ssyncset.done $0x0  }
0x20: {  	s9 =	simm.s32 $0x5000;
	s10 =	rddreg [dreg:$0x6];
	[sflag:s22] =	ssyncadd.s32 $0xFFFFB100  }
0x21: {  	[tilespmem:s9], [sflag:$0x5] =	stream.linear.gather [hbm4b:s10+s3], $0x4F00, $0x38;
	[tilespmem:$0x1E040] =	vst v63  }
0x22: {  	_ =	swait.ge [sflag:s22], $0x4F00  }
0x23: {  	s11 =	sand.u32 $0x7E00, s3;
	[sflag:s22] =	ssyncset.done $0x0  }
0x24: {  	s12 =	sand.u32 $0x70, s3;
	s10 =	sshrl.u32 s11, $0x2;
	[sflag:s22] =	ssyncadd.s32 $0xFFFFB100  }
0x25: {  	[tilespmem:s25], [sflag:$0x1] =	stream.indirect.gather [hbm4b:s4+s24], $0x80, s3, s24, $0xb8;
	[tilespmem:$0x1E040] =	vst v63  }
0x26: {  	s8 =	simm.s32 $0x40;
	s9 =	simm.s32 $0x0;
	s10 =	sor.u32 s12, s10  }
0x27: {  	[tilespmem:s26], [sflag:$0x2] =	stream.indirect.gather [hbm4b:s4+s24], $0x80, s24, s24, $0xb8;
	[tilespmem:$0x1E040] =	vst v63  }
.LBB2_2:
0x28: {  	p0 =	sne.s32 s8, $0x7FC0  }
0x29: {  	[tilespmem:s10+$0x12000] =	vst v1;
	s9 =	sadd.s32 $0x10, s9;
	s10 =	smov.u32 s8;
	s8 =	sadd.s32 $0x40, s8  }
.Ltmp0:
0x2a: {  	(pc) =	sbr.rel @p0 .LBB2_2-.Ltmp0, $4  }
0x2b: {  	_ = 	snop  }
0x2c: {  	s10 =	sand.u32 $0x7E00, s10  }
0x2d: {  	s11 =	sand.u32 $0x70, s9;
	s10 =	sshrl.u32 s10, $0x2  }
0x2e: {  	s10 =	sor.u32 s11, s10  }
0x2f: {  	[tilespmem:s10+$0x12000] =	vst v1  }
0x30: {  	[spmem:s6] =	stream.linear.scatter [tilespmem:s28], [sflag:$0x5], $0x2000, $0x38;
	[tilespmem:$0x1E040] =	vst v63  }
0x31: {  	_ =	swait.ge [sflag:s22], $0x2000  }
0x32: {  	[sflag:s22] =	ssyncset.done $0x0  }
0x33: {  	s8 =	rddreg [dreg:$0x8];
	[sflag:s22] =	ssyncadd.s32 $0xFFFFE000  }
0x34: {  	[spmem:s8] =	stream.linear.scatter [tilespmem:s28], [sflag:$0x5], $0x2000, $0x38;
	[tilespmem:$0x1E040] =	vst v63  }
0x35: {  	_ =	swait.ge [sflag:s22], $0x2000  }
0x36: {  	[sflag:s22] =	ssyncset.done $0x0  }
0x37: {  	s12 =	rddreg [dreg:$0x9];
	[sflag:s22] =	ssyncadd.s32 $0xFFFFE000  }
0x38: {  	[spmem:s12] =	stream.linear.scatter [tilespmem:s28], [sflag:$0x5], $0x2000, $0x38;
	[tilespmem:$0x1E040] =	vst v63  }
0x39: {  	_ =	swait.ge [sflag:s22], $0x2000  }
0x3a: {  	[sflag:s22] =	ssyncset.done $0x0  }
0x3b: {  	s9 =	rddreg [dreg:$0xa];
	[sflag:s22] =	ssyncadd.s32 $0xFFFFE000  }
0x3c: {  	[spmem:s9] =	stream.linear.scatter [tilespmem:s28], [sflag:$0x5], $0x2000, $0x38;
	[tilespmem:$0x1E040] =	vst v63  }
0x3d: {  	_ =	swait.ge [sflag:s22], $0x2000  }
0x3e: {  	[sflag:s22] =	ssyncset.done $0x0  }
0x3f: {  	s11 =	simm.s32 $0x0;
	s10 =	rddreg [dreg:$0xb];
	[sflag:s22] =	ssyncadd.s32 $0xFFFFE000  }
0x40: {  	[spmem:s10] =	stream.linear.scatter [tilespmem:s28], [sflag:$0x5], $0x2000, $0x38;
	[tilespmem:$0x1E040] =	vst v63  }
0x41: {  	s9 =	sand.u32 $0x1FE00, s11;
	_ =	swait.ge [sflag:s22], $0x2000  }
0x42: {  	s8 =	sand.u32 $0x70, s11;
	s9 =	sshrl.u32 s9, $0x2;
	[sflag:s22] =	ssyncset.done $0x0  }
0x43: {  	s8 =	sor.u32 s8, s9;
	[sflag:s22] =	ssyncadd.s32 $0xFFFFE000  }
0x44: {  	v2 =	vld [tilespmem:s8+$0x5000];
	_ =	sdelay $0x3  }
0x45: {  	s12 =	simm.s32 $0x40  }
0x46: {  	s11 =	sand.u32 $0x1FE00, s12;
	s9 =	simm.s32 $0x80;
	s10 =	simm.s32 $0x10;
	v2 =	vsub.s32 v2, v0  }
.LBB2_4:
0x47: {  	p0 =	sne.s32 s9, $0x13BC0;
	s12 =	sand.u32 $0x70, s10;
	s11 =	sshrl.u32 s11, $0x2;
	v2 =	vmin.u32 v2, $0x1400  }
0x48: {  	[tilespmem:s8+$0x5000] =	vst v2;
	s8 =	sor.u32 s12, s11  }
0x49: {  	v2 =	vld [tilespmem:s8+$0x5000]  }
.Ltmp1:
0x4a: {  	(pc) =	sbr.rel @p0 .LBB2_4-.Ltmp1, $2  }
0x4b: {  	_ =	sdelay $0x2  }
0x4c: {  	s10 =	sadd.s32 $0x10, s10;
	s11 =	sand.u32 $0x1FE00, s9;
	s9 =	sadd.s32 $0x40, s9;
	v2 =	vsub.s32 v2, v0  }
0x4d: {  	s9 =	sand.u32 $0x70, s10;
	s12 =	sshrl.u32 s11, $0x2;
	v2 =	vmin.u32 v2, $0x1400  }
0x4e: {  	s9 =	sor.u32 s9, s12;
	[tilespmem:s8+$0x5000] =	vst v2  }
0x4f: {  	v2 =	vld [tilespmem:s9+$0x5000];
	_ =	sdelay $0x4  }
0x50: {  	v2 =	vsub.s32 v2, v0  }
0x51: {  	v2 =	vmin.u32 v2, $0x1400  }
0x52: {  	[tilespmem:s9+$0x5000] =	vst v2  }
0x53: {  	s11 =	simm.s32 $0x80;
	[bflag:$0x0] =	sbarrier.arrive $0xFFFF  }
0x54: {  	[tilespmem:s29], [sflag:$0x3] =	stream.indirect.gather [hbm4b:s4+s24], $0x80, s11, s24, $0xb8;
	[tilespmem:$0x1E040] =	vst v63  }
0x55: {  	s12 =	simm.s32 $0xC0  }
0x56: {  	[tilespmem:s30], [sflag:$0x4] =	stream.indirect.gather [hbm4b:s4+s24], $0x80, s12, s24, $0xb8;
	[tilespmem:$0x1E040] =	vst v63  }
0x57: {  	_ =	swait.ge [sflag:s31], $0x2000  }
0x58: {  	[sflag:s31] =	ssyncset.done $0x0  }
0x59: {  	[sflag:s31] =	ssyncadd.s32 $0xFFFFE000  }
0x5a: {  	_ =	swait.ge [sflag:s0], $0x2000  }
0x5b: {  	[sflag:s0] =	ssyncset.done $0x0  }
0x5c: {  	s9 =	simm.s32 $0x5000;
	[sflag:s0] =	ssyncadd.s32 $0xFFFFE000  }
0x5d: {  	[spmem:s1] =	stream.indirect.scatter.add.f32 [tilespmem:s25], [sflag:$0x5], $0x80, s9, s2, $0xb8;
	[tilespmem:$0x1E040] =	vst v63  }
0x5e: {  	_ =	swait.ge [sflag:s22], $0x4000  }
0x5f: {  	[sflag:s22] =	ssyncset.done $0x0  }
0x60: {  	[sflag:s22] =	ssyncadd.s32 $0xFFFFC000  }
0x61: {  	_ =	swait.ge [sflag:s23], $0x2000  }
0x62: {  	[sflag:s23] =	ssyncset.done $0x0  }
0x63: {  	[sflag:s23] =	ssyncadd.s32 $0xFFFFE000  }
0x64: {  	_ =	swait.ge [sflag:s5], $0x2000  }
0x65: {  	[sflag:s5] =	ssyncset.done $0x0  }
0x66: {  	s10 =	simm.s32 $0x100;
	[sflag:s5] =	ssyncadd.s32 $0xFFFFE000  }
0x67: {  	[tilespmem:s25], [sflag:$0x1] =	stream.indirect.gather [hbm4b:s4+s24], $0x80, s10, s24, $0xb8;
	[tilespmem:$0x1E040] =	vst v63  }
0x68: {  	s11 =	simm.s32 $0x140  }
0x69: {  	[tilespmem:s26], [sflag:$0x2] =	stream.indirect.gather [hbm4b:s4+s24], $0x80, s11, s24, $0xb8;
	[tilespmem:$0x1E040] =	vst v63  }
0x6a: {  	s12 =	simm.s32 $0x5080  }
0x6b: {  	[spmem:s1] =	stream.indirect.scatter.add.f32 [tilespmem:s29], [sflag:$0x5], $0x80, s12, s2, $0xb8;
	[tilespmem:$0x1E040] =	vst v63  }
0x6c: {  	_ =	swait.ge [sflag:s22], $0x4000  }
0x6d: {  	s8 =	simm.s32 $0x400;
	s9 =	simm.s32 $0x800;
	[sflag:s22] =	ssyncset.done $0x0  }
.LBB2_6:
0x6e: {  	s10 =	sshra.s32 s8, $0x2  }
0x6f: {  	[sflag:s22] =	ssyncadd.s32 $0xFFFFC000;
	s8 =	smov.u32 s9;
	s11 =	sadd.s32 $0x400, s9  }
0x70: {  	p0 =	sne.s32 s9, $0x13400;
	s9 =	sadd.s32 $0x80, s10  }
0x71: {  	[tilespmem:s29], [sflag:$0x3] =	stream.indirect.gather [hbm4b:s4+s24], $0x80, s9, s24, $0xb8;
	[tilespmem:$0x1E040] =	vst v63  }
0x72: {  	s9 =	sadd.s32 $0xC0, s10  }
0x73: {  	[tilespmem:s30], [sflag:$0x4] =	stream.indirect.gather [hbm4b:s4+s24], $0x80, s9, s24, $0xb8;
	[tilespmem:$0x1E040] =	vst v63  }
0x74: {  	_ =	swait.ge [sflag:s31], $0x2000  }
0x75: {  	[sflag:s31] =	ssyncset.done $0x0  }
0x76: {  	[sflag:s31] =	ssyncadd.s32 $0xFFFFE000  }
0x77: {  	_ =	swait.ge [sflag:s0], $0x2000  }
0x78: {  	[sflag:s0] =	ssyncset.done $0x0  }
0x79: {  	s9 =	sadd.s32 $0x5000, s10;
	[sflag:s0] =	ssyncadd.s32 $0xFFFFE000  }
0x7a: {  	[spmem:s1] =	stream.indirect.scatter.add.f32 [tilespmem:s25], [sflag:$0x5], $0x80, s9, s2, $0xb8;
	[tilespmem:$0x1E040] =	vst v63  }
0x7b: {  	_ =	swait.ge [sflag:s22], $0x4000  }
0x7c: {  	[sflag:s22] =	ssyncset.done $0x0  }
0x7d: {  	[sflag:s22] =	ssyncadd.s32 $0xFFFFC000  }
0x7e: {  	_ =	swait.ge [sflag:s23], $0x2000  }
0x7f: {  	[sflag:s23] =	ssyncset.done $0x0  }
0x80: {  	[sflag:s23] =	ssyncadd.s32 $0xFFFFE000  }
0x81: {  	_ =	swait.ge [sflag:s5], $0x2000  }
0x82: {  	[sflag:s5] =	ssyncset.done $0x0  }
0x83: {  	s9 =	sadd.s32 $0x100, s10;
	[sflag:s5] =	ssyncadd.s32 $0xFFFFE000  }
0x84: {  	[tilespmem:s25], [sflag:$0x1] =	stream.indirect.gather [hbm4b:s4+s24], $0x80, s9, s24, $0xb8;
	[tilespmem:$0x1E040] =	vst v63  }
0x85: {  	s9 =	sadd.s32 $0x140, s10  }
0x86: {  	[tilespmem:s26], [sflag:$0x2] =	stream.indirect.gather [hbm4b:s4+s24], $0x80, s9, s24, $0xb8;
	[tilespmem:$0x1E040] =	vst v63  }
.Ltmp2:
0x87: {  	_ = 	snop;
	(pc) =	sbr.rel @p0 .LBB2_6-.Ltmp2, $4  }
0x88: {  	s9 =	sadd.s32 $0x5080, s10  }
0x89: {  	[spmem:s1] =	stream.indirect.scatter.add.f32 [tilespmem:s29], [sflag:$0x5], $0x80, s9, s2, $0xb8;
	[tilespmem:$0x1E040] =	vst v63  }
0x8a: {  	_ =	swait.ge [sflag:s22], $0x4000  }
0x8b: {  	s9 =	smov.u32 s11;
	[sflag:s22] =	ssyncset.done $0x0  }
0x8c: {  	s8 =	sshra.s32 s8, $0x2  }
0x8d: {  	[sflag:s22] =	ssyncadd.s32 $0xFFFFC000;
	s9 =	sadd.s32 $0x80, s8  }
0x8e: {  	[tilespmem:s29], [sflag:$0x3] =	stream.indirect.gather [hbm4b:s4+s24], $0x80, s9, s24, $0xb8;
	[tilespmem:$0x1E040] =	vst v63  }
0x8f: {  	s11 =	sadd.s32 $0xC0, s8  }
0x90: {  	[tilespmem:s30], [sflag:$0x4] =	stream.indirect.gather [hbm4b:s4+s24], $0x80, s11, s24, $0xb8;
	[tilespmem:$0x1E040] =	vst v63  }
0x91: {  	_ =	swait.ge [sflag:s31], $0x2000  }
0x92: {  	[sflag:s31] =	ssyncset.done $0x0  }
0x93: {  	[sflag:s31] =	ssyncadd.s32 $0xFFFFE000  }
0x94: {  	_ =	swait.ge [sflag:s0], $0x2000  }
0x95: {  	[sflag:s0] =	ssyncset.done $0x0  }
0x96: {  	s12 =	sadd.s32 $0x5000, s8;
	[sflag:s0] =	ssyncadd.s32 $0xFFFFE000  }
0x97: {  	[spmem:s1] =	stream.indirect.scatter.add.f32 [tilespmem:s25], [sflag:$0x5], $0x80, s12, s2, $0xb8;
	[tilespmem:$0x1E040] =	vst v63  }
0x98: {  	_ =	swait.ge [sflag:s22], $0x4000  }
0x99: {  	[sflag:s22] =	ssyncset.done $0x0  }
0x9a: {  	[sflag:s22] =	ssyncadd.s32 $0xFFFFC000  }
0x9b: {  	_ =	swait.ge [sflag:s23], $0x2000  }
0x9c: {  	[sflag:s23] =	ssyncset.done $0x0  }
0x9d: {  	[sflag:s23] =	ssyncadd.s32 $0xFFFFE000  }
0x9e: {  	_ =	swait.ge [sflag:s5], $0x2000  }
0x9f: {  	[sflag:s5] =	ssyncset.done $0x0  }
0xa0: {  	s10 =	sadd.s32 $0x100, s8;
	[sflag:s5] =	ssyncadd.s32 $0xFFFFE000  }
0xa1: {  	[tilespmem:s25], [sflag:$0x1] =	stream.indirect.gather [hbm4b:s4+s24], $0x80, s10, s24, $0xb8;
	[tilespmem:$0x1E040] =	vst v63  }
0xa2: {  	s11 =	sadd.s32 $0x140, s8  }
0xa3: {  	[tilespmem:s26], [sflag:$0x2] =	stream.indirect.gather [hbm4b:s4+s24], $0x80, s11, s24, $0xb8;
	[tilespmem:$0x1E040] =	vst v63  }
0xa4: {  	s8 =	sadd.s32 $0x5080, s8  }
0xa5: {  	[spmem:s1] =	stream.indirect.scatter.add.f32 [tilespmem:s29], [sflag:$0x5], $0x80, s8, s2, $0xb8;
	[tilespmem:$0x1E040] =	vst v63  }
0xa6: {  	_ =	swait.ge [sflag:s22], $0x4000  }
0xa7: {  	[sflag:s22] =	ssyncset.done $0x0  }
0xa8: {  	s12 =	simm.s32 $0x4E80;
	[sflag:s22] =	ssyncadd.s32 $0xFFFFC000  }
0xa9: {  	[tilespmem:s29], [sflag:$0x3] =	stream.indirect.gather [hbm4b:s4+s24], $0x80, s12, s24, $0xb8;
	[tilespmem:$0x1E040] =	vst v63  }
0xaa: {  	s9 =	simm.s32 $0x4EC0  }
0xab: {  	[tilespmem:s30], [sflag:$0x4] =	stream.indirect.gather [hbm4b:s4+s24], $0x80, s9, s24, $0xb8;
	[tilespmem:$0x1E040] =	vst v63  }
0xac: {  	_ =	swait.ge [sflag:s31], $0x2000  }
0xad: {  	[sflag:s31] =	ssyncset.done $0x0  }
0xae: {  	[sflag:s31] =	ssyncadd.s32 $0xFFFFE000  }
0xaf: {  	_ =	swait.ge [sflag:s0], $0x2000  }
0xb0: {  	[sflag:s0] =	ssyncset.done $0x0  }
0xb1: {  	s10 =	simm.s32 $0x9E00;
	[sflag:s0] =	ssyncadd.s32 $0xFFFFE000  }
0xb2: {  	[spmem:s1] =	stream.indirect.scatter.add.f32 [tilespmem:s25], [sflag:$0x5], $0x80, s10, s2, $0xb8;
	[tilespmem:$0x1E040] =	vst v63  }
0xb3: {  	_ =	swait.ge [sflag:s22], $0x4000  }
0xb4: {  	[sflag:s22] =	ssyncset.done $0x0  }
0xb5: {  	[sflag:s22] =	ssyncadd.s32 $0xFFFFC000  }
0xb6: {  	_ =	swait.ge [sflag:s23], $0x2000  }
0xb7: {  	[sflag:s23] =	ssyncset.done $0x0  }
0xb8: {  	[sflag:s23] =	ssyncadd.s32 $0xFFFFE000  }
0xb9: {  	_ =	swait.ge [sflag:s5], $0x2000  }
0xba: {  	[sflag:s5] =	ssyncset.done $0x0  }
0xbb: {  	s11 =	simm.s32 $0x9E80;
	[sflag:s5] =	ssyncadd.s32 $0xFFFFE000  }
0xbc: {  	[spmem:s1] =	stream.indirect.scatter.add.f32 [tilespmem:s29], [sflag:$0x5], $0x80, s11, s2, $0xb8;
	[tilespmem:$0x1E040] =	vst v63  }
0xbd: {  	_ =	swait.ge [sflag:s22], $0x4000  }
0xbe: {  	[sflag:s22] =	ssyncset.done $0x0  }
0xbf: {  	[sflag:s22] =	ssyncadd.s32 $0xFFFFC000  }
0xc0: {  	[bflag:$0x0] =	sbarrier.arrive $0xFFFF  }
0xc1: {  	[tilespmem:s28], [sflag:$0x5] =	stream.linear.gather [spmem:s6], $0x2000, $0x38;
	[tilespmem:$0x1E040] =	vst v63  }
0xc2: {  	_ =	swait.ge [sflag:s22], $0x2000  }
0xc3: {  	[sflag:s22] =	ssyncset.done $0x0  }
0xc4: {  	[sflag:s22] =	ssyncadd.s32 $0xFFFFE000  }
0xc5: {  	[hbm4b:s13+s3] =	stream.linear.scatter [tilespmem:s28], [sflag:$0x5], $0x2000, $0x38;
	[tilespmem:$0x1E040] =	vst v63  }
0xc6: {  	_ =	swait.ge [sflag:s22], $0x2000  }
0xc7: {  	[sflag:s22] =	ssyncset.done $0x0  }
0xc8: {  	[sflag:s22] =	ssyncadd.s32 $0xFFFFE000  }
0xc9: {  	[tilespmem:s28], [sflag:$0x5] =	stream.linear.gather [spmem:s14], $0x2000, $0x38;
	[tilespmem:$0x1E040] =	vst v63  }
0xca: {  	_ =	swait.ge [sflag:s22], $0x2000  }
0xcb: {  	[sflag:s22] =	ssyncset.done $0x0  }
0xcc: {  	[sflag:s22] =	ssyncadd.s32 $0xFFFFE000  }
0xcd: {  	[hbm4b:s15+s3] =	stream.linear.scatter [tilespmem:s28], [sflag:$0x5], $0x2000, $0x38;
	[tilespmem:$0x1E040] =	vst v63  }
0xce: {  	_ =	swait.ge [sflag:s22], $0x2000  }
0xcf: {  	[sflag:s22] =	ssyncset.done $0x0  }
0xd0: {  	[sflag:s22] =	ssyncadd.s32 $0xFFFFE000  }
0xd1: {  	[tilespmem:s28], [sflag:$0x5] =	stream.linear.gather [spmem:s16], $0x2000, $0x38;
	[tilespmem:$0x1E040] =	vst v63  }
0xd2: {  	_ =	swait.ge [sflag:s22], $0x2000  }
0xd3: {  	[sflag:s22] =	ssyncset.done $0x0  }
0xd4: {  	[sflag:s22] =	ssyncadd.s32 $0xFFFFE000  }
0xd5: {  	[hbm4b:s17+s3] =	stream.linear.scatter [tilespmem:s28], [sflag:$0x5], $0x2000, $0x38;
	[tilespmem:$0x1E040] =	vst v63  }
0xd6: {  	_ =	swait.ge [sflag:s22], $0x2000  }
0xd7: {  	[sflag:s22] =	ssyncset.done $0x0  }
0xd8: {  	[sflag:s22] =	ssyncadd.s32 $0xFFFFE000  }
0xd9: {  	[tilespmem:s28], [sflag:$0x5] =	stream.linear.gather [spmem:s18], $0x2000, $0x38;
	[tilespmem:$0x1E040] =	vst v63  }
0xda: {  	_ =	swait.ge [sflag:s22], $0x2000  }
0xdb: {  	[sflag:s22] =	ssyncset.done $0x0  }
0xdc: {  	[sflag:s22] =	ssyncadd.s32 $0xFFFFE000  }
0xdd: {  	[hbm4b:s19+s3] =	stream.linear.scatter [tilespmem:s28], [sflag:$0x5], $0x2000, $0x38;
	[tilespmem:$0x1E040] =	vst v63  }
0xde: {  	_ =	swait.ge [sflag:s22], $0x2000  }
0xdf: {  	[sflag:s22] =	ssyncset.done $0x0  }
0xe0: {  	[sflag:s22] =	ssyncadd.s32 $0xFFFFE000  }
0xe1: {  	[tilespmem:s28], [sflag:$0x5] =	stream.linear.gather [spmem:s20], $0x2000, $0x38;
	[tilespmem:$0x1E040] =	vst v63  }
0xe2: {  	_ =	swait.ge [sflag:s22], $0x2000  }
0xe3: {  	[sflag:s22] =	ssyncset.done $0x0  }
0xe4: {  	[sflag:s22] =	ssyncadd.s32 $0xFFFFE000  }
0xe5: {  	[hbm4b:s21+s3] =	stream.linear.scatter [tilespmem:s28], [sflag:$0x5], $0x2000, $0x38;
	[tilespmem:$0x1E040] =	vst v63  }
0xe6: {  	_ =	swait.ge [sflag:s22], $0x2000  }
0xe7: {  	s7 =	sadd.s32 $0x1, s7;
	s12 =	rddreg [dreg:$0x7]  }
0xe8: {  	p0 =	sne.s32 s7, s12  }
.Ltmp3:
0xe9: {  	_ = 	snop;
	(pc) =	sbr.rel @p0 .LBB2_1-.Ltmp3, $3  }
0xea: {  	_ =	sdelay $0x1  }
0xeb: {  	[sflag:s22] =	ssyncset.done $0x0  }
0xec: {  	[sflag:s22] =	ssyncadd.s32 $0xFFFFE000  }
0xed: {  	_ =	sfence.sel $0x180000  }
0xee: {  	[bflag:$0x0] =	sbarrier.arrive $0xFFFF  }
0xef: {  	_ =	strace $0x9000004A  }
0xf0: {  	s0 =	stileid.u32;
	[bflag:$0x2] =	sbarrier.arrive $0xFFFF  }
0xf1: {  	p0 =	sne.s32 s0, $0x0;
	s0 =	rddreg [dreg:$0x4]  }
0xf2: {  	s0 =	sadd.s32 @!p0 $0x100000, s0  }
0xf3: {  	[sflag:s0] =	ssyncadd.tile.s32 @!p0 $0x1;
	_ =	shalt  }
.Lfunc_end2:
_tile_overlayer_lowered:
.L_overlay_start_2:
0xf4: {  	(tag) =	ssettag $0x2  }
0xf5: {  	s0 =	rddreg [dreg:$0x0];
	s2 =	stileid.u32  }
0xf6: {  	s1 =	rddreg [dreg:$0x1];
	p0 =	sne.s32 s2, $0x0  }
0xf7: {  	s3 =	rddreg [dreg:$0x2];
	[bflag:$0x3] =	sbarrier.arrive $0xFFFF;
	s2 =	simm.s32 @!p0 $0x1C05  }
0xf8: {  	[timem:s3], [sflag:s2] =	dma.local @!p0 [hbm:s0], s1  }
0xf9: {  	s0 =	simm.s32 @!p0 $0x5  }
0xfa: {  	_ =	swait.ge @!p0 [sflag:s0], s1  }
0xfb: {  	s1 =	ssub.s32 @!p0 $0x0, s1;
	[sflag:s0] =	ssyncset.done @!p0 $0x0  }
0xfc: {  	[sflag:s0] =	ssyncadd.s32 @!p0 s1  }
0xfd: {  	[bflag:$0x3] =	sbarrier.arrive $0xFFFF  }
0xfe: {  	_ =	shalt  }

// kernel: kernel.14.cloned.1.call-start
scs
__scs_entry_jumppad:
0x0: {  	(pc) =	sbr.rel $0x88, $3  }
0x1: {  	(tag) =	ssettag $0x0;
	lr =	simm.s32 $0x1  }
0x2: {  	[smem:$0x3F99] =	sst lr;
	_ =	strace $0xD0000000  }
0x3: {  	_ = 	snop  }
0x4: {  	_ = 	snop  }
0x5: {  	_ = 	snop  }
0x6: {  	_ = 	snop  }
0x7: {  	_ = 	snop  }
__scs_overlays_trampoline_lowered:
0x8: {  	[smem:$0x3FA8] =	sst s0  }
0x9: {  	[smem:$0x3FA9] =	sst s1  }
0xa: {  	[smem:$0x3FAA] =	sst s2  }
0xb: {  	[smem:$0x3FAB] =	sst s3  }
0xc: {  	[smem:$0x3FAC] =	sst s4  }
0xd: {  	[smem:$0x3FAD] =	sst s5  }
0xe: {  	[smem:$0x3FAE] =	sst s6  }
0xf: {  	[smem:$0x3FAF] =	sst s7  }
0x10: {  	[smem:$0x3FB0] =	sst s8  }
0x11: {  	[smem:$0x3FB1] =	sst s9;
	s0 =	simm.s32 @!p0 $0x0  }
0x12: {  	s1 =	sld [smem:$0x3F97];
	s0 =	simm.s32 @p0 $0x1  }
0x13: {  	[smem:$0x3FB2] =	sst s0;
	s0 =	simm.s32 @!p1 $0x0  }
0x14: {  	s2 =	sld [smem:$0x3F96];
	s0 =	simm.s32 @p1 $0x1  }
0x15: {  	[smem:$0x3FB3] =	sst s0;
	s0 =	simm.s32 @!p2 $0x0  }
0x16: {  	s3 =	sld [smem:$0x3FDB];
	s0 =	simm.s32 @p2 $0x1  }
0x17: {  	s4 =	simm.s32 $0x1BF5;
	[smem:$0x3FB5] =	sst s0  }
0x18: {  	s0 =	sld [smem:$0x3F98];
	_ =	swait.ge [sflag:s4], $0x0  }
0x19: {  	s7 =	sld [smem:$0x3F99]  }
0x1a: {  	s8 =	sadd.s32 $0xFFFFE003, lr  }
0x1b: {  	s9 =	sadd.s32 $0xFFFFFEF7, lr;
	s5 =	simm.s32 $0xFFFFFFFF;
	p2 =	slt.u32 s8, $0xFFFFF086  }
0x1c: {  	p1 =	slt.u32 s9, $0xF7A;
	s5 =	simm.s32 @!p2 $0x0  }
0x1d: {  	s5 =	simm.s32 @p1 $0x1;
	p0 =	seq.s32 s7, s2  }
0x1e: {  	s7 =	smul.u32 @!p0 $0xF7A, s2;
	p2 =	seq.s32 @!p0 s5, $0x0  }
0x1f: {  	s9 =	smul.u32 $0xF7A, s1;
	s8 =	simm.s32 @!p0 $0x1BF5;
	p2 =	por !p2, p0  }
0x20: {  	[sflag:s8] =	ssyncset.s32 @!p0 $0xFFFFF086;
	s6 =	sadd.s32 @!p0 s3, s7;
	s7 =	simm.s32 @!p0 $0x108  }
0x21: {  	s3 =	sadd.s32 s3, s9;
	s6 =	sadd.s32 @!p0 $0x88, s6;
	s7 =	simm.s32 @p2 $0x1082  }
0x22: {  	[simem:s7], [sflag:s8] =	dma.local @!p0 [hbm:s6], $0xF7A  }
0x23: {  	s9 =	sor.u32 $0xD0000000, s2;
	s6 =	simm.s32 $0x108;
	_ =	swait.ge @!p0 [sflag:s8], $0x0  }
0x24: {  	s3 =	sadd.s32 $0x88, s3;
	s6 =	simm.s32 @!p1 $0x1082;
	[sflag:s4] =	ssyncset.s32 $0xFFFFF086  }
0x25: {  	[simem:s6], [sflag:s4] =	dma.local [hbm:s3], $0xF7A  }
0x26: {  	[smem:$0x3F99] =	sst s1;
	(tag) =	ssettag s2;
	_ =	strace s9  }
0x27: {  	s1 =	sld [smem:$0x3FA9]  }
0x28: {  	s2 =	sld [smem:$0x3FAA]  }
0x29: {  	s4 =	sld [smem:$0x3FAC]  }
0x2a: {  	p0 =	seq.s32 s5, $0x0;
	s5 =	sld [smem:$0x3FAD]  }
0x2b: {  	s6 =	sld [smem:$0x3FAE]  }
0x2c: {  	s7 =	sld [smem:$0x3FAF]  }
0x2d: {  	s3 =	simm.s32 $0x108;
	s8 =	sld [smem:$0x3FB0]  }
0x2e: {  	s3 =	simm.s32 @!p0 $0x1082;
	s9 =	sld [smem:$0x3FB1]  }
0x2f: {  	lr =	sadd.s32 s0, s3;
	s0 =	sld [smem:$0x3FA8]  }
0x30: {  	s3 =	sld [smem:$0x3FAB]  }
0x31: {  	[smem:$0x3FB4] =	sst s10  }
0x32: {  	s10 =	sld [smem:$0x3FB2];
	_ =	sdelay $0x3  }
0x33: {  	p0 =	seq.s32 s10, $0x1;
	s10 =	sld [smem:$0x3FB4];
	_ =	sdelay $0x3  }
0x34: {  	[smem:$0x3FB4] =	sst s10  }
0x35: {  	s10 =	sld [smem:$0x3FB3];
	_ =	sdelay $0x3  }
0x36: {  	p1 =	seq.s32 s10, $0x1;
	s10 =	sld [smem:$0x3FB4];
	_ =	sdelay $0x3  }
0x37: {  	[smem:$0x3FB4] =	sst s10  }
0x38: {  	s10 =	sld [smem:$0x3FB5]  }
0x39: {  	_ = 	snop;
	(pc) =	sbr.ind lr, $3  }
0x3a: {  	_ = 	snop  }
0x3b: {  	_ = 	snop  }
0x3c: {  	p2 =	seq.s32 s10, $0x1;
	s10 =	sld [smem:$0x3FB4]  }
0x3d: {  	_ =	shalt  }
0x3e: {  	_ =	shalt  }
0x3f: {  	_ =	shalt  }
0x40: {  	_ =	shalt  }
0x41: {  	_ =	shalt  }
0x42: {  	_ =	shalt  }
0x43: {  	_ =	shalt  }
0x44: {  	_ =	shalt  }
0x45: {  	_ =	shalt  }
0x46: {  	_ =	shalt  }
0x47: {  	_ =	shalt  }
0x48: {  	_ =	shalt  }
0x49: {  	_ =	shalt  }
0x4a: {  	_ =	shalt  }
0x4b: {  	_ =	shalt  }
0x4c: {  	_ =	shalt  }
0x4d: {  	_ =	shalt  }
0x4e: {  	_ =	shalt  }
0x4f: {  	_ =	shalt  }
0x50: {  	_ =	shalt  }
0x51: {  	_ =	shalt  }
0x52: {  	_ =	shalt  }
0x53: {  	_ =	shalt  }
0x54: {  	_ =	shalt  }
0x55: {  	_ =	shalt  }
0x56: {  	_ =	shalt  }
0x57: {  	_ =	shalt  }
0x58: {  	_ =	shalt  }
0x59: {  	_ =	shalt  }
0x5a: {  	_ =	shalt  }
0x5b: {  	_ =	shalt  }
0x5c: {  	_ =	shalt  }
0x5d: {  	_ =	shalt  }
0x5e: {  	_ =	shalt  }
0x5f: {  	_ =	shalt  }
0x60: {  	_ =	shalt  }
0x61: {  	_ =	shalt  }
0x62: {  	_ =	shalt  }
0x63: {  	_ =	shalt  }
0x64: {  	_ =	shalt  }
0x65: {  	_ =	shalt  }
0x66: {  	_ =	shalt  }
0x67: {  	_ =	shalt  }
0x68: {  	_ =	shalt  }
0x69: {  	_ =	shalt  }
0x6a: {  	_ =	shalt  }
0x6b: {  	_ =	shalt  }
0x6c: {  	_ =	shalt  }
0x6d: {  	_ =	shalt  }
0x6e: {  	_ =	shalt  }
0x6f: {  	_ =	shalt  }
0x70: {  	_ =	shalt  }
0x71: {  	_ =	shalt  }
0x72: {  	_ =	shalt  }
0x73: {  	_ =	shalt  }
0x74: {  	_ =	shalt  }
0x75: {  	_ =	shalt  }
0x76: {  	_ =	shalt  }
0x77: {  	_ =	shalt  }
0x78: {  	_ =	shalt  }
0x79: {  	_ =	shalt  }
0x7a: {  	_ =	shalt  }
0x7b: {  	_ =	shalt  }
0x7c: {  	_ =	shalt  }
0x7d: {  	_ =	shalt  }
0x7e: {  	_ =	shalt  }
0x7f: {  	_ =	shalt  }
0x80: {  	_ =	shalt  }
0x81: {  	_ =	shalt  }
0x82: {  	_ =	shalt  }
0x83: {  	_ =	shalt  }
0x84: {  	_ =	shalt  }
0x85: {  	_ =	shalt  }
0x86: {  	_ =	shalt  }
0x87: {  	_ =	shalt  }
.Lfunc_end0:
.L_simem_size_0:
called_computation.2_lowered:
.L_overlay_start_0:
0x88: {  	s2 =	sld [smem:$0x3FD9]  }
0x89: {  	s3 =	sld [smem:$0x3FFE];
	_ =	sdelay $0x1  }
0x8a: {  	s1 =	srdreg.scid  }
0x8b: {  	s0 =	sand.u32 $0x1, s1  }
0x8c: {  	s14 =	sshll.u32 s0, $0xA;
	s2 =	sadd.s32 s3, s2  }
0x8d: {  	s2 =	sadd.s32 s2, s14  }
0x8e: {  	[smem:$0x3FC0] =	sst s2  }
0x8f: {  	_ = 	snop  }
0x90: {  	s2 =	sld [smem:$0x3FD0];
	_ =	sdelay $0x2  }
0x91: {  	s15 =	simm.s32 $0xA;
	s4 =	simm.s32 $0x10  }
0x92: {  	[smem:s4], [sflag:s15] =	dma.local [hbm:s2], $0x1  }
0x93: {  	_ =	swait.eq [sflag:s15], $0x1  }
0x94: {  	[sflag:s15] =	ssyncset.done $0x0  }
0x95: {  	s16 =	sld [smem:$0x10];
	[sflag:s15] =	ssyncadd.s32 $0xFFFFFFFF  }
0x96: {  	s17 =	sld [smem:$0x11];
	(tm) =	ssettm $0x1  }
0x97: {  	s18 =	sld [smem:$0x3FFB];
	_ =	sdelay $0x3  }
0x98: {  	_ =	strace s18  }
0x99: {  	s4 =	sld [smem:$0x3FFC];
	_ =	sdelay $0x3  }
0x9a: {  	_ =	strace s4  }
0x9b: {  	s4 =	sld [smem:$0x3FFD];
	_ =	sdelay $0x3  }
0x9c: {  	_ =	strace s4  }
0x9d: {  	_ =	strace $0x8FFFFFFF  }
0x9e: {  	s19 =	sld [smem:$0x3FDB];
	_ =	sdelay $0x1  }
0x9f: {  	s5 =	simm.s32 $_scs_section_size  }
0xa0: {  	s6 =	simm.s32 $_size__tile_overlayer_lowered;
	s7 =	simm.s32 $_tile_overlayer_lowered  }
0xa1: {  	s22 =	simm.s32 $0x1BFF;
	s21 =	sshll.u32 s7, $0x1;
	s4 =	sadd.s32 s5, s19  }
0xa2: {  	s8 =	simm.s32 $0x0;
	s20 =	sshll.u32 s6, $0x1;
	s6 =	sadd.s32 s21, s4  }
0xa3: {  	[timem:s8], [sflag:s22] =	dma.local [hbm:s6], s20  }
0xa4: {  	_ =	swait.ge [sflag:s22], s20  }
0xa5: {  	s5 =	ssub.s32 $0x0, s20;
	[sflag:s22] =	ssyncset.done $0x0  }
0xa6: {  	[sflag:s22] =	ssyncadd.s32 s5;
	_ =	sdelay $0x1  }
0xa7: {  	s23 =	simm.s32 $0x1B8B  }
0xa8: {  	_ =	swait.ge [sflag:s23], $0x1  }
0xa9: {  	[sflag:s23] =	ssyncset.done $0x0  }
0xaa: {  	s25 =	simm.s32 $0x1B8E;
	s24 =	sld [smem:$0x3FFE];
	[sflag:s23] =	ssyncadd.s32 $0xFFFFFFFF  }
0xab: {  	s26 =	simm.s32 $execute0_lowered;
	[smem:$0x3FD2] =	sst s25  }
0xac: {  	s6 =	sshll.u32 s26, $0x1;
	_ =	strace $0x8000004C;
	[dreg:$0x1] =	wrdreg $0xFFFFFFFF  }
0xad: {  	s28 =	simm.s32 $_size_execute0_lowered;
	s4 =	sadd.s32 s4, s6;
	[dreg:$0x0] =	wrdreg $0x0  }
0xae: {  	s6 =	sshll.u32 s28, $0x1;
	[dreg:$0x2] =	wrdreg s4  }
0xaf: {  	[dreg:$0x3] =	wrdreg s6  }
0xb0: {  	[dreg:$0x4] =	wrdreg $0xC0  }
0xb1: {  	_ =	task [dreg:s8], $0x5FFFF  }
0xb2: {  	[dreg:$0x1] =	wrdreg $0xFFFFFFFF  }
0xb3: {  	[dreg:$0x0] =	wrdreg $0x60  }
0xb4: {  	[dreg:$0x2] =	wrdreg s24  }
0xb5: {  	[dreg:$0x3] =	wrdreg s16  }
0xb6: {  	[dreg:$0x4] =	wrdreg s17  }
0xb7: {  	[dreg:$0x5] =	wrdreg $0x140000  }
0xb8: {  	[dreg:$0x6] =	wrdreg $0x9  }
0xb9: {  	_ =	task.clear_ibuf [dreg:s8], $0x7FFFF;
	_ =	strace $0x9000004C  }
0xba: {  	s29 =	simm.s32 $0x9;
	_ =	strace $0x8000004E  }
0xbb: {  	_ =	swait.ge [sflag:s29], $0x1  }
0xbc: {  	[sflag:s29] =	ssyncadd.s32 $0xFFFFFFFF  }
0xbd: {  	_ =	strace $0x9000004E  }
0xbe: {  	_ =	sfence  }
0xbf: {  	s30 =	sld [smem:$0x0];
	_ =	sdelay $0x2  }
0xc0: {  	s31 =	sshll.u32 s1, $0xD;
	s1 =	sshrl.u32 s1, $0x2  }
0xc1: {  	s3 =	sand.u32 $0x4000, s31;
	s1 =	sadd.s32 s1, s30  }
0xc2: {  	s0 =	sor.u32 s3, s0;
	s1 =	sshll.u32 s1, $0x11  }
0xc3: {  	s0 =	sor.u32 s1, s0  }
0xc4: {  	s0 =	sadd.s32 $0x8F2B, s0  }
0xc5: {  	[sflag:s0] =	ssyncadd.remote.s32 $0x1  }
0xc6: {  	_ =	sfence.sel $0xFFFF  }
0xc7: {  	[dreg:$0x0] =	wrdreg $0xFFFFFFFF;
	(pc) =	sbr.abs _section_cstart, $3  }
0xc8: {  	[dreg:$0x1] =	wrdreg $0xFFFFFFFF  }
0xc9: {  	_ =	task.clear_ibuf [dreg:s8], $0x2FFFF;
	_ =	strace $0x9FFFFFFF  }
0xca: {  	(tm) =	ssettm $0x7FFFFFFF  }
0xcb: {  	_ =	shalt  }
tec
execute0_lowered:
.L_overlay_start_1:
0x0: {  	(tag) =	ssettag $0x1  }
0x1: {  	s0 =	rddreg [dreg:$0x0]  }
0x2: {  	s2 =	rddreg [dreg:$0x1]  }
0x3: {  	s5 =	rddreg [dreg:$0x2]  }
0x4: {  	s1 =	rddreg [dreg:$0x3];
	s3 =	simm.s32 $0x0;
	s4 =	srdreg.scid  }
0x5: {  	s11 =	stileid.u32;
	s28 =	simm.s32 $0x12000;
	s29 =	simm.s32 $0xE000  }
0x6: {  	s30 =	simm.s32 $0x10000;
	s31 =	simm.s32 $0x1;
	[smem:$0x7FF] =	sst s3  }
0x7: {  	s6 =	sand.u32 $0x1, s4;
	s4 =	sadd.s32 $0x2AA00, s0;
	s8 =	smul.u32 $0x28000, s11  }
0x8: {  	s0 =	sadd.s32 $0x52A00, s0;
	s10 =	smul.u32 $0xA00, s11;
	s7 =	ssub.s32 $0x2, s6  }
0x9: {  	_ =	strace $0x8000004D;
	s9 =	sshrl.u32 s7, $0x1;
	s26 =	sshrl.u32 s8, $0x2  }
0xa: {  	s2 =	sadd.s32 s2, s10;
	s8 =	smul.u32 $0x140, s11;
	s5 =	sadd.s32 s5, s10  }
0xb: {  	s7 =	ssub.s32 s7, s9;
	s9 =	smul.u32 $0x1400, s6;
	[dreg:$0x5] =	wrdreg s2  }
0xc: {  	s6 =	sadd.s32 s26, s1;
	[dreg:$0x6] =	wrdreg s5;
	s11 =	smax.u32 s7, $0x1  }
0xd: {  	s12 =	sadd.s32 $0x2000, s6;
	s13 =	sadd.s32 $0x4000, s6;
	[dreg:$0x7] =	wrdreg s11  }
0xe: {  	s14 =	sadd.s32 $0x6000, s6;
	s16 =	sadd.s32 $0x8000, s6;
	[dreg:$0x8] =	wrdreg s12  }
0xf: {  	s17 =	sadd.s32 $0x40, s8;
	s20 =	sadd.s32 $0x80, s8;
	[dreg:$0x9] =	wrdreg s13  }
0x10: {  	s23 =	sadd.s32 $0xC0, s8;
	s2 =	sadd.s32 $0x100, s8;
	[dreg:$0xa] =	wrdreg s14  }
0x11: {  	s15 =	sadd.s32 s9, s8;
	[dreg:$0xb] =	wrdreg s16;
	s18 =	sshll.u32 s17, $0x7  }
0x12: {  	s7 =	sadd.s32 s9, s17;
	s21 =	sshll.u32 s20, $0x7;
	s24 =	sshll.u32 s23, $0x7  }
0x13: {  	s25 =	sadd.s32 s9, s23;
	s26 =	sadd.s32 s9, s2;
	s2 =	sshll.u32 s2, $0x7  }
0x14: {  	s23 =	simm.s32 $0x3;
	s5 =	sshll.u32 s15, $0x4;
	s14 =	sadd.s32 s18, s1  }
0x15: {  	s19 =	sshll.u32 s7, $0x4;
	s7 =	sadd.s32 s9, s20;
	s16 =	sadd.s32 s21, s1  }
0x16: {  	s18 =	sadd.s32 s24, s1;
	s20 =	sadd.s32 s2, s1;
	s24 =	simm.s32 $0x40  }
0x17: {  	s2 =	simm.s32 $0x80;
	s13 =	sadd.s32 s0, s5;
	s15 =	sadd.s32 s0, s19  }
0x18: {  	s22 =	sshll.u32 s7, $0x4;
	s5 =	sshll.u32 s25, $0x4;
	s7 =	sshll.u32 s26, $0x4  }
0x19: {  	s25 =	simm.s32 $0xA000;
	s26 =	simm.s32 $0xC000;
	s17 =	sadd.s32 s0, s22  }
0x1a: {  	s19 =	sadd.s32 s0, s5;
	s21 =	sadd.s32 s0, s7;
	s22 =	simm.s32 $0x5  }
0x1b: {  	v1 =	vimm.f32 $0.0e+00;
	v0 =	vmov s9;
	s0 =	simm.s32 $0x2;
	s5 =	simm.s32 $0x4;
	s7 =	simm.s32 $0x0  }
.LBB2_1:
0x1c: {  	s8 =	rddreg [dreg:$0x5]  }
0x1d: {  	[tilespmem:s3], [sflag:$0x5] =	stream.linear.gather [hbm4b:s8+s3], $0x4F00, $0x38;
	[tilespmem:$0x1E040] =	vst v63  }
0x1e: {  	_ =	swait.ge [sflag:s22], $0x4F00  }
0x1f: {  	[sflag:s22] =	ssyncset.done $0x0  }
0x20: {  	s9 =	simm.s32 $0x5000;
	s10 =	rddreg [dreg:$0x6];
	[sflag:s22] =	ssyncadd.s32 $0xFFFFB100  }
0x21: {  	[tilespmem:s9], [sflag:$0x5] =	stream.linear.gather [hbm4b:s10+s3], $0x4F00, $0x38;
	[tilespmem:$0x1E040] =	vst v63  }
0x22: {  	_ =	swait.ge [sflag:s22], $0x4F00  }
0x23: {  	s11 =	sand.u32 $0x7E00, s3;
	[sflag:s22] =	ssyncset.done $0x0  }
0x24: {  	s12 =	sand.u32 $0x70, s3;
	s10 =	sshrl.u32 s11, $0x2;
	[sflag:s22] =	ssyncadd.s32 $0xFFFFB100  }
0x25: {  	[tilespmem:s25], [sflag:$0x1] =	stream.indirect.gather [hbm4b:s4+s24], $0x80, s3, s24, $0xb8;
	[tilespmem:$0x1E040] =	vst v63  }
0x26: {  	s8 =	simm.s32 $0x40;
	s9 =	simm.s32 $0x0;
	s10 =	sor.u32 s12, s10  }
0x27: {  	[tilespmem:s26], [sflag:$0x2] =	stream.indirect.gather [hbm4b:s4+s24], $0x80, s24, s24, $0xb8;
	[tilespmem:$0x1E040] =	vst v63  }
.LBB2_2:
0x28: {  	p0 =	sne.s32 s8, $0x7FC0  }
0x29: {  	[tilespmem:s10+$0x12000] =	vst v1;
	s9 =	sadd.s32 $0x10, s9;
	s10 =	smov.u32 s8;
	s8 =	sadd.s32 $0x40, s8  }
.Ltmp0:
0x2a: {  	(pc) =	sbr.rel @p0 .LBB2_2-.Ltmp0, $4  }
0x2b: {  	_ = 	snop  }
0x2c: {  	s10 =	sand.u32 $0x7E00, s10  }
0x2d: {  	s11 =	sand.u32 $0x70, s9;
	s10 =	sshrl.u32 s10, $0x2  }
0x2e: {  	s10 =	sor.u32 s11, s10  }
0x2f: {  	[tilespmem:s10+$0x12000] =	vst v1  }
0x30: {  	[spmem:s6] =	stream.linear.scatter [tilespmem:s28], [sflag:$0x5], $0x2000, $0x38;
	[tilespmem:$0x1E040] =	vst v63  }
0x31: {  	_ =	swait.ge [sflag:s22], $0x2000  }
0x32: {  	[sflag:s22] =	ssyncset.done $0x0  }
0x33: {  	s8 =	rddreg [dreg:$0x8];
	[sflag:s22] =	ssyncadd.s32 $0xFFFFE000  }
0x34: {  	[spmem:s8] =	stream.linear.scatter [tilespmem:s28], [sflag:$0x5], $0x2000, $0x38;
	[tilespmem:$0x1E040] =	vst v63  }
0x35: {  	_ =	swait.ge [sflag:s22], $0x2000  }
0x36: {  	[sflag:s22] =	ssyncset.done $0x0  }
0x37: {  	s12 =	rddreg [dreg:$0x9];
	[sflag:s22] =	ssyncadd.s32 $0xFFFFE000  }
0x38: {  	[spmem:s12] =	stream.linear.scatter [tilespmem:s28], [sflag:$0x5], $0x2000, $0x38;
	[tilespmem:$0x1E040] =	vst v63  }
0x39: {  	_ =	swait.ge [sflag:s22], $0x2000  }
0x3a: {  	[sflag:s22] =	ssyncset.done $0x0  }
0x3b: {  	s9 =	rddreg [dreg:$0xa];
	[sflag:s22] =	ssyncadd.s32 $0xFFFFE000  }
0x3c: {  	[spmem:s9] =	stream.linear.scatter [tilespmem:s28], [sflag:$0x5], $0x2000, $0x38;
	[tilespmem:$0x1E040] =	vst v63  }
0x3d: {  	_ =	swait.ge [sflag:s22], $0x2000  }
0x3e: {  	[sflag:s22] =	ssyncset.done $0x0  }
0x3f: {  	s11 =	simm.s32 $0x0;
	s10 =	rddreg [dreg:$0xb];
	[sflag:s22] =	ssyncadd.s32 $0xFFFFE000  }
0x40: {  	[spmem:s10] =	stream.linear.scatter [tilespmem:s28], [sflag:$0x5], $0x2000, $0x38;
	[tilespmem:$0x1E040] =	vst v63  }
0x41: {  	s9 =	sand.u32 $0x1FE00, s11;
	_ =	swait.ge [sflag:s22], $0x2000  }
0x42: {  	s8 =	sand.u32 $0x70, s11;
	s9 =	sshrl.u32 s9, $0x2;
	[sflag:s22] =	ssyncset.done $0x0  }
0x43: {  	s8 =	sor.u32 s8, s9;
	[sflag:s22] =	ssyncadd.s32 $0xFFFFE000  }
0x44: {  	v2 =	vld [tilespmem:s8+$0x5000];
	_ =	sdelay $0x3  }
0x45: {  	s12 =	simm.s32 $0x40  }
0x46: {  	s11 =	sand.u32 $0x1FE00, s12;
	s9 =	simm.s32 $0x80;
	s10 =	simm.s32 $0x10;
	v2 =	vsub.s32 v2, v0  }
.LBB2_4:
0x47: {  	p0 =	sne.s32 s9, $0x13BC0;
	s12 =	sand.u32 $0x70, s10;
	s11 =	sshrl.u32 s11, $0x2;
	v2 =	vmin.u32 v2, $0x1400  }
0x48: {  	[tilespmem:s8+$0x5000] =	vst v2;
	s8 =	sor.u32 s12, s11  }
0x49: {  	v2 =	vld [tilespmem:s8+$0x5000]  }
.Ltmp1:
0x4a: {  	(pc) =	sbr.rel @p0 .LBB2_4-.Ltmp1, $2  }
0x4b: {  	_ =	sdelay $0x2  }
0x4c: {  	s10 =	sadd.s32 $0x10, s10;
	s11 =	sand.u32 $0x1FE00, s9;
	s9 =	sadd.s32 $0x40, s9;
	v2 =	vsub.s32 v2, v0  }
0x4d: {  	s9 =	sand.u32 $0x70, s10;
	s12 =	sshrl.u32 s11, $0x2;
	v2 =	vmin.u32 v2, $0x1400  }
0x4e: {  	s9 =	sor.u32 s9, s12;
	[tilespmem:s8+$0x5000] =	vst v2  }
0x4f: {  	v2 =	vld [tilespmem:s9+$0x5000];
	_ =	sdelay $0x4  }
0x50: {  	v2 =	vsub.s32 v2, v0  }
0x51: {  	v2 =	vmin.u32 v2, $0x1400  }
0x52: {  	[tilespmem:s9+$0x5000] =	vst v2  }
0x53: {  	s11 =	simm.s32 $0x80;
	[bflag:$0x0] =	sbarrier.arrive $0xFFFF  }
0x54: {  	[tilespmem:s29], [sflag:$0x3] =	stream.indirect.gather [hbm4b:s4+s24], $0x80, s11, s24, $0xb8;
	[tilespmem:$0x1E040] =	vst v63  }
0x55: {  	s12 =	simm.s32 $0xC0  }
0x56: {  	[tilespmem:s30], [sflag:$0x4] =	stream.indirect.gather [hbm4b:s4+s24], $0x80, s12, s24, $0xb8;
	[tilespmem:$0x1E040] =	vst v63  }
0x57: {  	_ =	swait.ge [sflag:s31], $0x2000  }
0x58: {  	[sflag:s31] =	ssyncset.done $0x0  }
0x59: {  	[sflag:s31] =	ssyncadd.s32 $0xFFFFE000  }
0x5a: {  	_ =	swait.ge [sflag:s0], $0x2000  }
0x5b: {  	[sflag:s0] =	ssyncset.done $0x0  }
0x5c: {  	s9 =	simm.s32 $0x5000;
	[sflag:s0] =	ssyncadd.s32 $0xFFFFE000  }
0x5d: {  	[spmem:s1] =	stream.indirect.scatter.add.f32 [tilespmem:s25], [sflag:$0x5], $0x80, s9, s2, $0xb8;
	[tilespmem:$0x1E040] =	vst v63  }
0x5e: {  	_ =	swait.ge [sflag:s22], $0x4000  }
0x5f: {  	[sflag:s22] =	ssyncset.done $0x0  }
0x60: {  	[sflag:s22] =	ssyncadd.s32 $0xFFFFC000  }
0x61: {  	_ =	swait.ge [sflag:s23], $0x2000  }
0x62: {  	[sflag:s23] =	ssyncset.done $0x0  }
0x63: {  	[sflag:s23] =	ssyncadd.s32 $0xFFFFE000  }
0x64: {  	_ =	swait.ge [sflag:s5], $0x2000  }
0x65: {  	[sflag:s5] =	ssyncset.done $0x0  }
0x66: {  	s10 =	simm.s32 $0x100;
	[sflag:s5] =	ssyncadd.s32 $0xFFFFE000  }
0x67: {  	[tilespmem:s25], [sflag:$0x1] =	stream.indirect.gather [hbm4b:s4+s24], $0x80, s10, s24, $0xb8;
	[tilespmem:$0x1E040] =	vst v63  }
0x68: {  	s11 =	simm.s32 $0x140  }
0x69: {  	[tilespmem:s26], [sflag:$0x2] =	stream.indirect.gather [hbm4b:s4+s24], $0x80, s11, s24, $0xb8;
	[tilespmem:$0x1E040] =	vst v63  }
0x6a: {  	s12 =	simm.s32 $0x5080  }
0x6b: {  	[spmem:s1] =	stream.indirect.scatter.add.f32 [tilespmem:s29], [sflag:$0x5], $0x80, s12, s2, $0xb8;
	[tilespmem:$0x1E040] =	vst v63  }
0x6c: {  	_ =	swait.ge [sflag:s22], $0x4000  }
0x6d: {  	s8 =	simm.s32 $0x400;
	s9 =	simm.s32 $0x800;
	[sflag:s22] =	ssyncset.done $0x0  }
.LBB2_6:
0x6e: {  	s10 =	sshra.s32 s8, $0x2  }
0x6f: {  	[sflag:s22] =	ssyncadd.s32 $0xFFFFC000;
	s8 =	smov.u32 s9;
	s11 =	sadd.s32 $0x400, s9  }
0x70: {  	p0 =	sne.s32 s9, $0x13400;
	s9 =	sadd.s32 $0x80, s10  }
0x71: {  	[tilespmem:s29], [sflag:$0x3] =	stream.indirect.gather [hbm4b:s4+s24], $0x80, s9, s24, $0xb8;
	[tilespmem:$0x1E040] =	vst v63  }
0x72: {  	s9 =	sadd.s32 $0xC0, s10  }
0x73: {  	[tilespmem:s30], [sflag:$0x4] =	stream.indirect.gather [hbm4b:s4+s24], $0x80, s9, s24, $0xb8;
	[tilespmem:$0x1E040] =	vst v63  }
0x74: {  	_ =	swait.ge [sflag:s31], $0x2000  }
0x75: {  	[sflag:s31] =	ssyncset.done $0x0  }
0x76: {  	[sflag:s31] =	ssyncadd.s32 $0xFFFFE000  }
0x77: {  	_ =	swait.ge [sflag:s0], $0x2000  }
0x78: {  	[sflag:s0] =	ssyncset.done $0x0  }
0x79: {  	s9 =	sadd.s32 $0x5000, s10;
	[sflag:s0] =	ssyncadd.s32 $0xFFFFE000  }
0x7a: {  	[spmem:s1] =	stream.indirect.scatter.add.f32 [tilespmem:s25], [sflag:$0x5], $0x80, s9, s2, $0xb8;
	[tilespmem:$0x1E040] =	vst v63  }
0x7b: {  	_ =	swait.ge [sflag:s22], $0x4000  }
0x7c: {  	[sflag:s22] =	ssyncset.done $0x0  }
0x7d: {  	[sflag:s22] =	ssyncadd.s32 $0xFFFFC000  }
0x7e: {  	_ =	swait.ge [sflag:s23], $0x2000  }
0x7f: {  	[sflag:s23] =	ssyncset.done $0x0  }
0x80: {  	[sflag:s23] =	ssyncadd.s32 $0xFFFFE000  }
0x81: {  	_ =	swait.ge [sflag:s5], $0x2000  }
0x82: {  	[sflag:s5] =	ssyncset.done $0x0  }
0x83: {  	s9 =	sadd.s32 $0x100, s10;
	[sflag:s5] =	ssyncadd.s32 $0xFFFFE000  }
0x84: {  	[tilespmem:s25], [sflag:$0x1] =	stream.indirect.gather [hbm4b:s4+s24], $0x80, s9, s24, $0xb8;
	[tilespmem:$0x1E040] =	vst v63  }
0x85: {  	s9 =	sadd.s32 $0x140, s10  }
0x86: {  	[tilespmem:s26], [sflag:$0x2] =	stream.indirect.gather [hbm4b:s4+s24], $0x80, s9, s24, $0xb8;
	[tilespmem:$0x1E040] =	vst v63  }
.Ltmp2:
0x87: {  	_ = 	snop;
	(pc) =	sbr.rel @p0 .LBB2_6-.Ltmp2, $4  }
0x88: {  	s9 =	sadd.s32 $0x5080, s10  }
0x89: {  	[spmem:s1] =	stream.indirect.scatter.add.f32 [tilespmem:s29], [sflag:$0x5], $0x80, s9, s2, $0xb8;
	[tilespmem:$0x1E040] =	vst v63  }
0x8a: {  	_ =	swait.ge [sflag:s22], $0x4000  }
0x8b: {  	s9 =	smov.u32 s11;
	[sflag:s22] =	ssyncset.done $0x0  }
0x8c: {  	s8 =	sshra.s32 s8, $0x2  }
0x8d: {  	[sflag:s22] =	ssyncadd.s32 $0xFFFFC000;
	s9 =	sadd.s32 $0x80, s8  }
0x8e: {  	[tilespmem:s29], [sflag:$0x3] =	stream.indirect.gather [hbm4b:s4+s24], $0x80, s9, s24, $0xb8;
	[tilespmem:$0x1E040] =	vst v63  }
0x8f: {  	s11 =	sadd.s32 $0xC0, s8  }
0x90: {  	[tilespmem:s30], [sflag:$0x4] =	stream.indirect.gather [hbm4b:s4+s24], $0x80, s11, s24, $0xb8;
	[tilespmem:$0x1E040] =	vst v63  }
0x91: {  	_ =	swait.ge [sflag:s31], $0x2000  }
0x92: {  	[sflag:s31] =	ssyncset.done $0x0  }
0x93: {  	[sflag:s31] =	ssyncadd.s32 $0xFFFFE000  }
0x94: {  	_ =	swait.ge [sflag:s0], $0x2000  }
0x95: {  	[sflag:s0] =	ssyncset.done $0x0  }
0x96: {  	s12 =	sadd.s32 $0x5000, s8;
	[sflag:s0] =	ssyncadd.s32 $0xFFFFE000  }
0x97: {  	[spmem:s1] =	stream.indirect.scatter.add.f32 [tilespmem:s25], [sflag:$0x5], $0x80, s12, s2, $0xb8;
	[tilespmem:$0x1E040] =	vst v63  }
0x98: {  	_ =	swait.ge [sflag:s22], $0x4000  }
0x99: {  	[sflag:s22] =	ssyncset.done $0x0  }
0x9a: {  	[sflag:s22] =	ssyncadd.s32 $0xFFFFC000  }
0x9b: {  	_ =	swait.ge [sflag:s23], $0x2000  }
0x9c: {  	[sflag:s23] =	ssyncset.done $0x0  }
0x9d: {  	[sflag:s23] =	ssyncadd.s32 $0xFFFFE000  }
0x9e: {  	_ =	swait.ge [sflag:s5], $0x2000  }
0x9f: {  	[sflag:s5] =	ssyncset.done $0x0  }
0xa0: {  	s10 =	sadd.s32 $0x100, s8;
	[sflag:s5] =	ssyncadd.s32 $0xFFFFE000  }
0xa1: {  	[tilespmem:s25], [sflag:$0x1] =	stream.indirect.gather [hbm4b:s4+s24], $0x80, s10, s24, $0xb8;
	[tilespmem:$0x1E040] =	vst v63  }
0xa2: {  	s11 =	sadd.s32 $0x140, s8  }
0xa3: {  	[tilespmem:s26], [sflag:$0x2] =	stream.indirect.gather [hbm4b:s4+s24], $0x80, s11, s24, $0xb8;
	[tilespmem:$0x1E040] =	vst v63  }
0xa4: {  	s8 =	sadd.s32 $0x5080, s8  }
0xa5: {  	[spmem:s1] =	stream.indirect.scatter.add.f32 [tilespmem:s29], [sflag:$0x5], $0x80, s8, s2, $0xb8;
	[tilespmem:$0x1E040] =	vst v63  }
0xa6: {  	_ =	swait.ge [sflag:s22], $0x4000  }
0xa7: {  	[sflag:s22] =	ssyncset.done $0x0  }
0xa8: {  	s12 =	simm.s32 $0x4E80;
	[sflag:s22] =	ssyncadd.s32 $0xFFFFC000  }
0xa9: {  	[tilespmem:s29], [sflag:$0x3] =	stream.indirect.gather [hbm4b:s4+s24], $0x80, s12, s24, $0xb8;
	[tilespmem:$0x1E040] =	vst v63  }
0xaa: {  	s9 =	simm.s32 $0x4EC0  }
0xab: {  	[tilespmem:s30], [sflag:$0x4] =	stream.indirect.gather [hbm4b:s4+s24], $0x80, s9, s24, $0xb8;
	[tilespmem:$0x1E040] =	vst v63  }
0xac: {  	_ =	swait.ge [sflag:s31], $0x2000  }
0xad: {  	[sflag:s31] =	ssyncset.done $0x0  }
0xae: {  	[sflag:s31] =	ssyncadd.s32 $0xFFFFE000  }
0xaf: {  	_ =	swait.ge [sflag:s0], $0x2000  }
0xb0: {  	[sflag:s0] =	ssyncset.done $0x0  }
0xb1: {  	s10 =	simm.s32 $0x9E00;
	[sflag:s0] =	ssyncadd.s32 $0xFFFFE000  }
0xb2: {  	[spmem:s1] =	stream.indirect.scatter.add.f32 [tilespmem:s25], [sflag:$0x5], $0x80, s10, s2, $0xb8;
	[tilespmem:$0x1E040] =	vst v63  }
0xb3: {  	_ =	swait.ge [sflag:s22], $0x4000  }
0xb4: {  	[sflag:s22] =	ssyncset.done $0x0  }
0xb5: {  	[sflag:s22] =	ssyncadd.s32 $0xFFFFC000  }
0xb6: {  	_ =	swait.ge [sflag:s23], $0x2000  }
0xb7: {  	[sflag:s23] =	ssyncset.done $0x0  }
0xb8: {  	[sflag:s23] =	ssyncadd.s32 $0xFFFFE000  }
0xb9: {  	_ =	swait.ge [sflag:s5], $0x2000  }
0xba: {  	[sflag:s5] =	ssyncset.done $0x0  }
0xbb: {  	s11 =	simm.s32 $0x9E80;
	[sflag:s5] =	ssyncadd.s32 $0xFFFFE000  }
0xbc: {  	[spmem:s1] =	stream.indirect.scatter.add.f32 [tilespmem:s29], [sflag:$0x5], $0x80, s11, s2, $0xb8;
	[tilespmem:$0x1E040] =	vst v63  }
0xbd: {  	_ =	swait.ge [sflag:s22], $0x4000  }
0xbe: {  	[sflag:s22] =	ssyncset.done $0x0  }
0xbf: {  	[sflag:s22] =	ssyncadd.s32 $0xFFFFC000  }
0xc0: {  	[bflag:$0x0] =	sbarrier.arrive $0xFFFF  }
0xc1: {  	[tilespmem:s28], [sflag:$0x5] =	stream.linear.gather [spmem:s6], $0x2000, $0x38;
	[tilespmem:$0x1E040] =	vst v63  }
0xc2: {  	_ =	swait.ge [sflag:s22], $0x2000  }
0xc3: {  	[sflag:s22] =	ssyncset.done $0x0  }
0xc4: {  	[sflag:s22] =	ssyncadd.s32 $0xFFFFE000  }
0xc5: {  	[hbm4b:s13+s3] =	stream.linear.scatter [tilespmem:s28], [sflag:$0x5], $0x2000, $0x38;
	[tilespmem:$0x1E040] =	vst v63  }
0xc6: {  	_ =	swait.ge [sflag:s22], $0x2000  }
0xc7: {  	[sflag:s22] =	ssyncset.done $0x0  }
0xc8: {  	[sflag:s22] =	ssyncadd.s32 $0xFFFFE000  }
0xc9: {  	[tilespmem:s28], [sflag:$0x5] =	stream.linear.gather [spmem:s14], $0x2000, $0x38;
	[tilespmem:$0x1E040] =	vst v63  }
0xca: {  	_ =	swait.ge [sflag:s22], $0x2000  }
0xcb: {  	[sflag:s22] =	ssyncset.done $0x0  }
0xcc: {  	[sflag:s22] =	ssyncadd.s32 $0xFFFFE000  }
0xcd: {  	[hbm4b:s15+s3] =	stream.linear.scatter [tilespmem:s28], [sflag:$0x5], $0x2000, $0x38;
	[tilespmem:$0x1E040] =	vst v63  }
0xce: {  	_ =	swait.ge [sflag:s22], $0x2000  }
0xcf: {  	[sflag:s22] =	ssyncset.done $0x0  }
0xd0: {  	[sflag:s22] =	ssyncadd.s32 $0xFFFFE000  }
0xd1: {  	[tilespmem:s28], [sflag:$0x5] =	stream.linear.gather [spmem:s16], $0x2000, $0x38;
	[tilespmem:$0x1E040] =	vst v63  }
0xd2: {  	_ =	swait.ge [sflag:s22], $0x2000  }
0xd3: {  	[sflag:s22] =	ssyncset.done $0x0  }
0xd4: {  	[sflag:s22] =	ssyncadd.s32 $0xFFFFE000  }
0xd5: {  	[hbm4b:s17+s3] =	stream.linear.scatter [tilespmem:s28], [sflag:$0x5], $0x2000, $0x38;
	[tilespmem:$0x1E040] =	vst v63  }
0xd6: {  	_ =	swait.ge [sflag:s22], $0x2000  }
0xd7: {  	[sflag:s22] =	ssyncset.done $0x0  }
0xd8: {  	[sflag:s22] =	ssyncadd.s32 $0xFFFFE000  }
0xd9: {  	[tilespmem:s28], [sflag:$0x5] =	stream.linear.gather [spmem:s18], $0x2000, $0x38;
	[tilespmem:$0x1E040] =	vst v63  }
0xda: {  	_ =	swait.ge [sflag:s22], $0x2000  }
0xdb: {  	[sflag:s22] =	ssyncset.done $0x0  }
0xdc: {  	[sflag:s22] =	ssyncadd.s32 $0xFFFFE000  }
0xdd: {  	[hbm4b:s19+s3] =	stream.linear.scatter [tilespmem:s28], [sflag:$0x5], $0x2000, $0x38;
	[tilespmem:$0x1E040] =	vst v63  }
0xde: {  	_ =	swait.ge [sflag:s22], $0x2000  }
0xdf: {  	[sflag:s22] =	ssyncset.done $0x0  }
0xe0: {  	[sflag:s22] =	ssyncadd.s32 $0xFFFFE000  }
0xe1: {  	[tilespmem:s28], [sflag:$0x5] =	stream.linear.gather [spmem:s20], $0x2000, $0x38;
	[tilespmem:$0x1E040] =	vst v63  }
0xe2: {  	_ =	swait.ge [sflag:s22], $0x2000  }
0xe3: {  	[sflag:s22] =	ssyncset.done $0x0  }
0xe4: {  	[sflag:s22] =	ssyncadd.s32 $0xFFFFE000  }
0xe5: {  	[hbm4b:s21+s3] =	stream.linear.scatter [tilespmem:s28], [sflag:$0x5], $0x2000, $0x38;
	[tilespmem:$0x1E040] =	vst v63  }
0xe6: {  	_ =	swait.ge [sflag:s22], $0x2000  }
0xe7: {  	s7 =	sadd.s32 $0x1, s7;
	s12 =	rddreg [dreg:$0x7]  }
0xe8: {  	p0 =	sne.s32 s7, s12  }
.Ltmp3:
0xe9: {  	_ = 	snop;
	(pc) =	sbr.rel @p0 .LBB2_1-.Ltmp3, $3  }
0xea: {  	_ =	sdelay $0x1  }
0xeb: {  	[sflag:s22] =	ssyncset.done $0x0  }
0xec: {  	[sflag:s22] =	ssyncadd.s32 $0xFFFFE000  }
0xed: {  	_ =	sfence.sel $0x180000  }
0xee: {  	[bflag:$0x0] =	sbarrier.arrive $0xFFFF  }
0xef: {  	_ =	strace $0x9000004D  }
0xf0: {  	s0 =	stileid.u32;
	[bflag:$0x2] =	sbarrier.arrive $0xFFFF  }
0xf1: {  	p0 =	sne.s32 s0, $0x0;
	s0 =	rddreg [dreg:$0x4]  }
0xf2: {  	s0 =	sadd.s32 @!p0 $0x100000, s0  }
0xf3: {  	[sflag:s0] =	ssyncadd.tile.s32 @!p0 $0x1;
	_ =	shalt  }
.Lfunc_end2:
_tile_overlayer_lowered:
.L_overlay_start_2:
0xf4: {  	(tag) =	ssettag $0x2  }
0xf5: {  	s0 =	rddreg [dreg:$0x0];
	s2 =	stileid.u32  }
0xf6: {  	s1 =	rddreg [dreg:$0x1];
	p0 =	sne.s32 s2, $0x0  }
0xf7: {  	s3 =	rddreg [dreg:$0x2];
	[bflag:$0x3] =	sbarrier.arrive $0xFFFF;
	s2 =	simm.s32 @!p0 $0x1C05  }
0xf8: {  	[timem:s3], [sflag:s2] =	dma.local @!p0 [hbm:s0], s1  }
0xf9: {  	s0 =	simm.s32 @!p0 $0x5  }
0xfa: {  	_ =	swait.ge @!p0 [sflag:s0], s1  }
0xfb: {  	s1 =	ssub.s32 @!p0 $0x0, s1;
	[sflag:s0] =	ssyncset.done @!p0 $0x0  }
0xfc: {  	[sflag:s0] =	ssyncadd.s32 @!p0 s1  }
0xfd: {  	[bflag:$0x3] =	sbarrier.arrive $0xFFFF  }
0xfe: {  	_ =	shalt  }

// kernel: kernel.8.cloned.1.call-start
scs
__scs_entry_jumppad:
0x0: {  	(pc) =	sbr.rel $0x88, $3  }
0x1: {  	(tag) =	ssettag $0x0;
	lr =	simm.s32 $0x1  }
0x2: {  	[smem:$0x3F99] =	sst lr;
	_ =	strace $0xD0000000  }
0x3: {  	_ = 	snop  }
0x4: {  	_ = 	snop  }
0x5: {  	_ = 	snop  }
0x6: {  	_ = 	snop  }
0x7: {  	_ = 	snop  }
__scs_overlays_trampoline_lowered:
0x8: {  	[smem:$0x3FA8] =	sst s0  }
0x9: {  	[smem:$0x3FA9] =	sst s1  }
0xa: {  	[smem:$0x3FAA] =	sst s2  }
0xb: {  	[smem:$0x3FAB] =	sst s3  }
0xc: {  	[smem:$0x3FAC] =	sst s4  }
0xd: {  	[smem:$0x3FAD] =	sst s5  }
0xe: {  	[smem:$0x3FAE] =	sst s6  }
0xf: {  	[smem:$0x3FAF] =	sst s7  }
0x10: {  	[smem:$0x3FB0] =	sst s8  }
0x11: {  	[smem:$0x3FB1] =	sst s9;
	s0 =	simm.s32 @!p0 $0x0  }
0x12: {  	s1 =	sld [smem:$0x3F97];
	s0 =	simm.s32 @p0 $0x1  }
0x13: {  	[smem:$0x3FB2] =	sst s0;
	s0 =	simm.s32 @!p1 $0x0  }
0x14: {  	s2 =	sld [smem:$0x3F96];
	s0 =	simm.s32 @p1 $0x1  }
0x15: {  	[smem:$0x3FB3] =	sst s0;
	s0 =	simm.s32 @!p2 $0x0  }
0x16: {  	s3 =	sld [smem:$0x3FDB];
	s0 =	simm.s32 @p2 $0x1  }
0x17: {  	s4 =	simm.s32 $0x1BF5;
	[smem:$0x3FB5] =	sst s0  }
0x18: {  	s0 =	sld [smem:$0x3F98];
	_ =	swait.ge [sflag:s4], $0x0  }
0x19: {  	s7 =	sld [smem:$0x3F99]  }
0x1a: {  	s8 =	sadd.s32 $0xFFFFE003, lr  }
0x1b: {  	s9 =	sadd.s32 $0xFFFFFEF7, lr;
	s5 =	simm.s32 $0xFFFFFFFF;
	p2 =	slt.u32 s8, $0xFFFFF086  }
0x1c: {  	p1 =	slt.u32 s9, $0xF7A;
	s5 =	simm.s32 @!p2 $0x0  }
0x1d: {  	s5 =	simm.s32 @p1 $0x1;
	p0 =	seq.s32 s7, s2  }
0x1e: {  	s7 =	smul.u32 @!p0 $0xF7A, s2;
	p2 =	seq.s32 @!p0 s5, $0x0  }
0x1f: {  	s9 =	smul.u32 $0xF7A, s1;
	s8 =	simm.s32 @!p0 $0x1BF5;
	p2 =	por !p2, p0  }
0x20: {  	[sflag:s8] =	ssyncset.s32 @!p0 $0xFFFFF086;
	s6 =	sadd.s32 @!p0 s3, s7;
	s7 =	simm.s32 @!p0 $0x108  }
0x21: {  	s3 =	sadd.s32 s3, s9;
	s6 =	sadd.s32 @!p0 $0x88, s6;
	s7 =	simm.s32 @p2 $0x1082  }
0x22: {  	[simem:s7], [sflag:s8] =	dma.local @!p0 [hbm:s6], $0xF7A  }
0x23: {  	s9 =	sor.u32 $0xD0000000, s2;
	s6 =	simm.s32 $0x108;
	_ =	swait.ge @!p0 [sflag:s8], $0x0  }
0x24: {  	s3 =	sadd.s32 $0x88, s3;
	s6 =	simm.s32 @!p1 $0x1082;
	[sflag:s4] =	ssyncset.s32 $0xFFFFF086  }
0x25: {  	[simem:s6], [sflag:s4] =	dma.local [hbm:s3], $0xF7A  }
0x26: {  	[smem:$0x3F99] =	sst s1;
	(tag) =	ssettag s2;
	_ =	strace s9  }
0x27: {  	s1 =	sld [smem:$0x3FA9]  }
0x28: {  	s2 =	sld [smem:$0x3FAA]  }
0x29: {  	s4 =	sld [smem:$0x3FAC]  }
0x2a: {  	p0 =	seq.s32 s5, $0x0;
	s5 =	sld [smem:$0x3FAD]  }
0x2b: {  	s6 =	sld [smem:$0x3FAE]  }
0x2c: {  	s7 =	sld [smem:$0x3FAF]  }
0x2d: {  	s3 =	simm.s32 $0x108;
	s8 =	sld [smem:$0x3FB0]  }
0x2e: {  	s3 =	simm.s32 @!p0 $0x1082;
	s9 =	sld [smem:$0x3FB1]  }
0x2f: {  	lr =	sadd.s32 s0, s3;
	s0 =	sld [smem:$0x3FA8]  }
0x30: {  	s3 =	sld [smem:$0x3FAB]  }
0x31: {  	[smem:$0x3FB4] =	sst s10  }
0x32: {  	s10 =	sld [smem:$0x3FB2];
	_ =	sdelay $0x3  }
0x33: {  	p0 =	seq.s32 s10, $0x1;
	s10 =	sld [smem:$0x3FB4];
	_ =	sdelay $0x3  }
0x34: {  	[smem:$0x3FB4] =	sst s10  }
0x35: {  	s10 =	sld [smem:$0x3FB3];
	_ =	sdelay $0x3  }
0x36: {  	p1 =	seq.s32 s10, $0x1;
	s10 =	sld [smem:$0x3FB4];
	_ =	sdelay $0x3  }
0x37: {  	[smem:$0x3FB4] =	sst s10  }
0x38: {  	s10 =	sld [smem:$0x3FB5]  }
0x39: {  	_ = 	snop;
	(pc) =	sbr.ind lr, $3  }
0x3a: {  	_ = 	snop  }
0x3b: {  	_ = 	snop  }
0x3c: {  	p2 =	seq.s32 s10, $0x1;
	s10 =	sld [smem:$0x3FB4]  }
0x3d: {  	_ =	shalt  }
0x3e: {  	_ =	shalt  }
0x3f: {  	_ =	shalt  }
0x40: {  	_ =	shalt  }
0x41: {  	_ =	shalt  }
0x42: {  	_ =	shalt  }
0x43: {  	_ =	shalt  }
0x44: {  	_ =	shalt  }
0x45: {  	_ =	shalt  }
0x46: {  	_ =	shalt  }
0x47: {  	_ =	shalt  }
0x48: {  	_ =	shalt  }
0x49: {  	_ =	shalt  }
0x4a: {  	_ =	shalt  }
0x4b: {  	_ =	shalt  }
0x4c: {  	_ =	shalt  }
0x4d: {  	_ =	shalt  }
0x4e: {  	_ =	shalt  }
0x4f: {  	_ =	shalt  }
0x50: {  	_ =	shalt  }
0x51: {  	_ =	shalt  }
0x52: {  	_ =	shalt  }
0x53: {  	_ =	shalt  }
0x54: {  	_ =	shalt  }
0x55: {  	_ =	shalt  }
0x56: {  	_ =	shalt  }
0x57: {  	_ =	shalt  }
0x58: {  	_ =	shalt  }
0x59: {  	_ =	shalt  }
0x5a: {  	_ =	shalt  }
0x5b: {  	_ =	shalt  }
0x5c: {  	_ =	shalt  }
0x5d: {  	_ =	shalt  }
0x5e: {  	_ =	shalt  }
0x5f: {  	_ =	shalt  }
0x60: {  	_ =	shalt  }
0x61: {  	_ =	shalt  }
0x62: {  	_ =	shalt  }
0x63: {  	_ =	shalt  }
0x64: {  	_ =	shalt  }
0x65: {  	_ =	shalt  }
0x66: {  	_ =	shalt  }
0x67: {  	_ =	shalt  }
0x68: {  	_ =	shalt  }
0x69: {  	_ =	shalt  }
0x6a: {  	_ =	shalt  }
0x6b: {  	_ =	shalt  }
0x6c: {  	_ =	shalt  }
0x6d: {  	_ =	shalt  }
0x6e: {  	_ =	shalt  }
0x6f: {  	_ =	shalt  }
0x70: {  	_ =	shalt  }
0x71: {  	_ =	shalt  }
0x72: {  	_ =	shalt  }
0x73: {  	_ =	shalt  }
0x74: {  	_ =	shalt  }
0x75: {  	_ =	shalt  }
0x76: {  	_ =	shalt  }
0x77: {  	_ =	shalt  }
0x78: {  	_ =	shalt  }
0x79: {  	_ =	shalt  }
0x7a: {  	_ =	shalt  }
0x7b: {  	_ =	shalt  }
0x7c: {  	_ =	shalt  }
0x7d: {  	_ =	shalt  }
0x7e: {  	_ =	shalt  }
0x7f: {  	_ =	shalt  }
0x80: {  	_ =	shalt  }
0x81: {  	_ =	shalt  }
0x82: {  	_ =	shalt  }
0x83: {  	_ =	shalt  }
0x84: {  	_ =	shalt  }
0x85: {  	_ =	shalt  }
0x86: {  	_ =	shalt  }
0x87: {  	_ =	shalt  }
.Lfunc_end0:
.L_simem_size_0:
called_computation_lowered:
.L_overlay_start_0:
0x88: {  	s2 =	sld [smem:$0x3FD9]  }
0x89: {  	s3 =	sld [smem:$0x3FFE];
	_ =	sdelay $0x1  }
0x8a: {  	s1 =	srdreg.scid  }
0x8b: {  	s0 =	sand.u32 $0x1, s1  }
0x8c: {  	s14 =	sshll.u32 s0, $0xA;
	s2 =	sadd.s32 s3, s2  }
0x8d: {  	s2 =	sadd.s32 s2, s14  }
0x8e: {  	[smem:$0x3FC0] =	sst s2  }
0x8f: {  	_ = 	snop  }
0x90: {  	s2 =	sld [smem:$0x3FD0];
	_ =	sdelay $0x2  }
0x91: {  	s15 =	simm.s32 $0xA;
	s4 =	simm.s32 $0x10  }
0x92: {  	[smem:s4], [sflag:s15] =	dma.local [hbm:s2], $0x1  }
0x93: {  	_ =	swait.eq [sflag:s15], $0x1  }
0x94: {  	[sflag:s15] =	ssyncset.done $0x0  }
0x95: {  	[sflag:s15] =	ssyncadd.s32 $0xFFFFFFFF  }
0x96: {  	s16 =	sld [smem:$0x11];
	(tm) =	ssettm $0x1  }
0x97: {  	s17 =	sld [smem:$0x3FFB];
	_ =	sdelay $0x3  }
0x98: {  	_ =	strace s17  }
0x99: {  	s3 =	sld [smem:$0x3FFC];
	_ =	sdelay $0x3  }
0x9a: {  	_ =	strace s3  }
0x9b: {  	s3 =	sld [smem:$0x3FFD];
	_ =	sdelay $0x3  }
0x9c: {  	_ =	strace s3  }
0x9d: {  	_ =	strace $0x8FFFFFFF  }
0x9e: {  	s18 =	sld [smem:$0x3FDB];
	_ =	sdelay $0x1  }
0x9f: {  	s19 =	simm.s32 $_scs_section_size  }
0xa0: {  	s5 =	simm.s32 $_size__tile_overlayer_lowered;
	s6 =	simm.s32 $_tile_overlayer_lowered  }
0xa1: {  	s22 =	simm.s32 $0x1BFF;
	s21 =	sshll.u32 s6, $0x1;
	s3 =	sadd.s32 s19, s18  }
0xa2: {  	s7 =	simm.s32 $0x0;
	s20 =	sshll.u32 s5, $0x1;
	s5 =	sadd.s32 s21, s3  }
0xa3: {  	[timem:s7], [sflag:s22] =	dma.local [hbm:s5], s20  }
0xa4: {  	_ =	swait.ge [sflag:s22], s20  }
0xa5: {  	s4 =	ssub.s32 $0x0, s20;
	[sflag:s22] =	ssyncset.done $0x0  }
0xa6: {  	[sflag:s22] =	ssyncadd.s32 s4;
	_ =	sdelay $0x1  }
0xa7: {  	s23 =	simm.s32 $0x1B8B  }
0xa8: {  	_ =	swait.ge [sflag:s23], $0x1  }
0xa9: {  	[sflag:s23] =	ssyncset.done $0x0  }
0xaa: {  	s25 =	simm.s32 $0x1B8E;
	s24 =	sld [smem:$0x3FFE];
	[sflag:s23] =	ssyncadd.s32 $0xFFFFFFFF  }
0xab: {  	s26 =	simm.s32 $execute0_lowered;
	[smem:$0x3FD2] =	sst s25  }
0xac: {  	s5 =	sshll.u32 s26, $0x1;
	_ =	strace $0x80000046;
	[dreg:$0x1] =	wrdreg $0xFFFFFFFF  }
0xad: {  	s28 =	simm.s32 $_size_execute0_lowered;
	s3 =	sadd.s32 s3, s5;
	[dreg:$0x0] =	wrdreg $0x0  }
0xae: {  	s5 =	sshll.u32 s28, $0x1;
	[dreg:$0x2] =	wrdreg s3  }
0xaf: {  	[dreg:$0x3] =	wrdreg s5  }
0xb0: {  	[dreg:$0x4] =	wrdreg $0xC0  }
0xb1: {  	_ =	task [dreg:s7], $0x5FFFF  }
0xb2: {  	[dreg:$0x1] =	wrdreg $0xFFFFFFFF  }
0xb3: {  	[dreg:$0x0] =	wrdreg $0x60  }
0xb4: {  	[dreg:$0x2] =	wrdreg s16  }
0xb5: {  	[dreg:$0x3] =	wrdreg s24  }
0xb6: {  	[dreg:$0x4] =	wrdreg $0x53000  }
0xb7: {  	[dreg:$0x5] =	wrdreg $0x9  }
0xb8: {  	_ =	task.clear_ibuf [dreg:s7], $0x6FFFF;
	_ =	strace $0x90000046  }
0xb9: {  	s29 =	simm.s32 $0x9;
	_ =	strace $0x80000048  }
0xba: {  	_ =	swait.ge [sflag:s29], $0x1  }
0xbb: {  	[sflag:s29] =	ssyncadd.s32 $0xFFFFFFFF  }
0xbc: {  	_ =	strace $0x90000048  }
0xbd: {  	_ =	sfence  }
0xbe: {  	s30 =	sld [smem:$0x0];
	_ =	sdelay $0x2  }
0xbf: {  	s31 =	sshll.u32 s1, $0xD;
	s1 =	sshrl.u32 s1, $0x2  }
0xc0: {  	s3 =	sand.u32 $0x4000, s31;
	s1 =	sadd.s32 s1, s30  }
0xc1: {  	s0 =	sor.u32 s3, s0;
	s1 =	sshll.u32 s1, $0x11  }
0xc2: {  	s0 =	sor.u32 s1, s0  }
0xc3: {  	s0 =	sadd.s32 $0x8F2B, s0  }
0xc4: {  	[sflag:s0] =	ssyncadd.remote.s32 $0x1  }
0xc5: {  	_ =	sfence.sel $0xFFFF  }
0xc6: {  	[dreg:$0x0] =	wrdreg $0xFFFFFFFF;
	(pc) =	sbr.abs _section_cstart, $3  }
0xc7: {  	[dreg:$0x1] =	wrdreg $0xFFFFFFFF  }
0xc8: {  	_ =	task.clear_ibuf [dreg:s7], $0x2FFFF;
	_ =	strace $0x9FFFFFFF  }
0xc9: {  	(tm) =	ssettm $0x7FFFFFFF  }
tec
execute0_lowered:
.L_overlay_start_1:
0x0: {  	(tag) =	ssettag $0x1  }
0x1: {  	s5 =	rddreg [dreg:$0x0]  }
0x2: {  	s4 =	rddreg [dreg:$0x1]  }
0x3: {  	s2 =	rddreg [dreg:$0x2]  }
0x4: {  	s0 =	rddreg [dreg:$0x3]  }
0x5: {  	s6 =	srdreg.scid;
	s1 =	stileid.u32  }
0x6: {  	s3 =	simm.s32 $0x0;
	s11 =	simm.s32 $0x5000;
	s12 =	simm.s32 $0x100  }
0x7: {  	s13 =	simm.s32 $0x0;
	s6 =	sand.u32 $0x1, s6;
	s7 =	smul.u32 $0x500, s1  }
0x8: {  	[smem:$0x7FF] =	sst s3;
	s9 =	smul.u32 $0xA00, s1;
	s8 =	sshll.u32 s6, $0x7  }
0x9: {  	_ =	strace $0x80000047;
	s6 =	ssub.s32 $0x2, s6;
	s7 =	sor.u32 s8, s7  }
0xa: {  	s31 =	sshrl.u32 s6, $0x1;
	s10 =	sshrl.u32 s9, $0x2;
	s5 =	sadd.s32 s5, s9  }
0xb: {  	s9 =	simm.s32 $0x1;
	s7 =	sshrl.u32 s7, $0x3;
	s8 =	ssub.s32 s6, s31  }
0xc: {  	s7 =	sadd.s32 s7, s4;
	s4 =	sadd.s32 s10, s2;
	s10 =	simm.s32 $0x80  }
0xd: {  	v0 =	vimm.f32 $1.000000000e+00;
	v1 =	vimm.f32 $0.0e+00;
	s6 =	sadd.s32 $0x2A00, s7;
	s7 =	smax.u32 s8, $0x1;
	s8 =	simm.s32 $0x5080  }
.LBB2_1:
0xe: {  	[tilespmem:$0x5000] =	vst v0  }
0xf: {  	[tilespmem:$0x5010] =	vst v0  }
0x10: {  	[tilespmem:$0x5020] =	vst v0  }
0x11: {  	[tilespmem:$0x5030] =	vst v0  }
0x12: {  	[tilespmem:$0x5040] =	vst v0  }
0x13: {  	[tilespmem:$0x5050] =	vst v0  }
0x14: {  	[tilespmem:$0x5060] =	vst v0  }
0x15: {  	[tilespmem:$0x5070] =	vst v0  }
0x16: {  	[tilespmem:$0x5080] =	vst v1  }
0x17: {  	[tilespmem:$0x5090] =	vst v1  }
0x18: {  	[tilespmem:$0x50A0] =	vst v1  }
0x19: {  	[tilespmem:$0x50B0] =	vst v1  }
0x1a: {  	[tilespmem:$0x50C0] =	vst v1  }
0x1b: {  	[tilespmem:$0x50D0] =	vst v1  }
0x1c: {  	[tilespmem:$0x50E0] =	vst v1  }
0x1d: {  	[tilespmem:$0x50F0] =	vst v1  }
0x1e: {  	[tilespmem:$0x5100] =	vst v1  }
0x1f: {  	[tilespmem:$0x5110] =	vst v1  }
0x20: {  	[tilespmem:$0x5120] =	vst v1  }
0x21: {  	[tilespmem:$0x5130] =	vst v1  }
0x22: {  	[tilespmem:$0x5140] =	vst v1  }
0x23: {  	[tilespmem:$0x5150] =	vst v1  }
0x24: {  	[tilespmem:$0x5160] =	vst v1  }
0x25: {  	[tilespmem:$0x5170] =	vst v1  }
0x26: {  	[tilespmem:$0x5180] =	vst v1  }
0x27: {  	[tilespmem:$0x5190] =	vst v1  }
0x28: {  	[tilespmem:$0x51A0] =	vst v1  }
0x29: {  	[tilespmem:$0x51B0] =	vst v1  }
0x2a: {  	[tilespmem:$0x51C0] =	vst v1  }
0x2b: {  	[tilespmem:$0x51D0] =	vst v1  }
0x2c: {  	[tilespmem:$0x51E0] =	vst v1  }
0x2d: {  	[tilespmem:$0x51F0] =	vst v1  }
0x2e: {  	[tilespmem:$0x5200] =	vst v1  }
0x2f: {  	[tilespmem:$0x5210] =	vst v1  }
0x30: {  	[tilespmem:$0x5220] =	vst v1  }
0x31: {  	[tilespmem:$0x5230] =	vst v1  }
0x32: {  	[tilespmem:$0x5240] =	vst v1  }
0x33: {  	[tilespmem:$0x5250] =	vst v1  }
0x34: {  	[tilespmem:$0x5260] =	vst v1  }
0x35: {  	[tilespmem:$0x5270] =	vst v1  }
0x36: {  	[tilespmem:$0x5280] =	vst v1  }
0x37: {  	[tilespmem:$0x5290] =	vst v1  }
0x38: {  	[tilespmem:$0x52A0] =	vst v1  }
0x39: {  	[tilespmem:$0x52B0] =	vst v1  }
0x3a: {  	[tilespmem:$0x52C0] =	vst v1  }
0x3b: {  	[tilespmem:$0x52D0] =	vst v1  }
0x3c: {  	[tilespmem:$0x52E0] =	vst v1  }
0x3d: {  	[tilespmem:$0x52F0] =	vst v1  }
0x3e: {  	[spmem:s4] =	stream.linear.scatter [tilespmem:s8], [sflag:$0x1], $0x280, $0x38;
	[tilespmem:$0x5580] =	vst v63  }
0x3f: {  	_ =	swait.ge [sflag:s9], $0x280  }
0x40: {  	[sflag:s9] =	ssyncset.done $0x0  }
0x41: {  	[sflag:s9] =	ssyncadd.s32 $0xFFFFFD80  }
0x42: {  	[tilespmem:s3], [sflag:$0x1] =	stream.linear.gather [hbm4b:s5+s3], $0x4F00, $0x38;
	[tilespmem:$0x5580] =	vst v63  }
0x43: {  	_ =	swait.ge [sflag:s9], $0x4F00  }
0x44: {  	[sflag:s9] =	ssyncset.done $0x0  }
0x45: {  	[sflag:s9] =	ssyncadd.s32 $0xFFFFB100  }
0x46: {  	s14 =	simm.s32 $0x0;
	[bflag:$0x0] =	sbarrier.arrive $0xFFFF  }
0x47: {  	[spmem:s2] =	stream.indirect.scatter.add.f32 [tilespmem:s11], [sflag:$0x1], $0x1, s14, s10, $0xb8;
	[tilespmem:$0x5580] =	vst v63  }
0x48: {  	_ =	swait.ge [sflag:s9], $0x80  }
0x49: {  	s14 =	simm.s32 $0x200;
	[sflag:s9] =	ssyncset.done $0x0  }
.LBB2_2:
0x4a: {  	s15 =	sshra.s32 s14, $0x2;
	[sflag:s9] =	ssyncadd.s32 $0xFFFFFF80;
	p0 =	sne.s32 s14, $0x13A00  }
0x4b: {  	[spmem:s2] =	stream.indirect.scatter.add.f32 [tilespmem:s11], [sflag:$0x1], $0x1, s15, s10, $0xb8;
	[tilespmem:$0x5580] =	vst v63  }
.Ltmp0:
0x4c: {  	_ = 	snop;
	(pc) =	sbr.rel @p0 .LBB2_2-.Ltmp0, $4  }
0x4d: {  	_ = 	snop  }
0x4e: {  	s14 =	sadd.s32 $0x200, s14  }
0x4f: {  	_ =	swait.ge [sflag:s9], $0x80  }
0x50: {  	[sflag:s9] =	ssyncset.done $0x0  }
0x51: {  	[sflag:s9] =	ssyncadd.s32 $0xFFFFFF80  }
0x52: {  	[bflag:$0x0] =	sbarrier.arrive $0xFFFF  }
0x53: {  	[tilespmem:s8], [sflag:$0x1] =	stream.linear.gather [spmem:s4], $0x280, $0x38;
	[tilespmem:$0x5580] =	vst v63  }
0x54: {  	s13 =	sadd.s32 $0x1, s13;
	_ =	swait.ge [sflag:s9], $0x280  }
0x55: {  	p0 =	sne.s32 s13, s7;
	[sflag:s9] =	ssyncset.done $0x0  }
.Ltmp1:
0x56: {  	[sflag:s9] =	ssyncadd.s32 $0xFFFFFD80;
	(pc) =	sbr.rel @p0 .LBB2_1-.Ltmp1, $4  }
0x57: {  	[hbm4b:s6+s10] =	stream.strided.scatter [tilespmem:s8], [sflag:$0x1], $0x280, s12, s10, $0x38;
	[tilespmem:$0x5580] =	vst v63  }
0x58: {  	_ =	swait.ge [sflag:s9], $0x280  }
0x59: {  	[sflag:s9] =	ssyncset.done $0x0  }
0x5a: {  	[sflag:s9] =	ssyncadd.s32 $0xFFFFFD80  }
0x5b: {  	_ =	sfence.sel $0x180000  }
0x5c: {  	[bflag:$0x0] =	sbarrier.arrive $0xFFFF  }
0x5d: {  	p0 =	sne.s32 s1, $0x0;
	_ =	strace $0x90000047  }
0x5e: {  	s0 =	sadd.s32 @!p0 $0x100000, s0;
	[bflag:$0x2] =	sbarrier.arrive $0xFFFF  }
0x5f: {  	[sflag:s0] =	ssyncadd.tile.s32 @!p0 $0x1;
	_ =	shalt  }
.Lfunc_end2:
_tile_overlayer_lowered:
.L_overlay_start_2:
0x60: {  	(tag) =	ssettag $0x2  }
0x61: {  	s0 =	rddreg [dreg:$0x0];
	s2 =	stileid.u32  }
0x62: {  	s1 =	rddreg [dreg:$0x1];
	p0 =	sne.s32 s2, $0x0  }
0x63: {  	s3 =	rddreg [dreg:$0x2];
	[bflag:$0x3] =	sbarrier.arrive $0xFFFF;
	s2 =	simm.s32 @!p0 $0x1C01  }
0x64: {  	[timem:s3], [sflag:s2] =	dma.local @!p0 [hbm:s0], s1  }
0x65: {  	s0 =	simm.s32 @!p0 $0x1  }
0x66: {  	_ =	swait.ge @!p0 [sflag:s0], s1  }
0x67: {  	s1 =	ssub.s32 @!p0 $0x0, s1;
	[sflag:s0] =	ssyncset.done @!p0 $0x0  }
0x68: {  	[sflag:s0] =	ssyncadd.s32 @!p0 s1  }
0x69: {  	[bflag:$0x3] =	sbarrier.arrive $0xFFFF  }
0x6a: {  	_ =	shalt  }

</sc_bundles>
